<compile_context>
chip_gen: v7x
topology: tpu7x:2x2x1
jax: 0.10.2.dev20260603
libtpu: 0.0.44.dev20260713+nightly
codegen_flags: <defaults>
</compile_context>

<pallas_src>
import jax
import jax.numpy as jnp
from jax import lax
from jax.experimental import pallas as pl
from jax.experimental.pallas import tpu as pltpu
from jax.experimental.pallas import tpu_sc as plsc

R = 1024
C = 100000
B = 128
NC = 2
NS = 16
NW = NC * NS
ROWS_PER_W = R // NW
WIN = 128
NBUF = 2


def _gather_body(dataT, idx_hbm, out_hbm, idx_v, out_v, stage_sh,
                 buf0, buf1, sem0, sem1):
    c = lax.axis_index("c")
    s = lax.axis_index("s")
    wid = s * NC + c
    row0 = wid * ROWS_PER_W
    rblk = pl.multiple_of((row0 // WIN) * WIN, WIN)
    off0 = row0 - rblk

    bufs = (buf0, buf1)
    sems = (sem0, sem1)

    pltpu.sync_copy(idx_hbm.at[pl.ds(row0, ROWS_PER_W)], idx_v)

    def fire(i, b):
        pltpu.async_copy(
            dataT.at[idx_v.at[i], pl.ds(rblk, WIN)], bufs[b], sems[b]
        )

    def drain(i, b):
        pltpu.make_async_copy(
            dataT.at[idx_v.at[i], pl.ds(rblk, WIN)], bufs[b], sems[b]
        ).wait()

    for b in range(NBUF):
        fire(b, b)

    def group(g, carry):
        for b in range(NBUF):
            i = g * NBUF + b
            drain(i, b)
            pltpu.sync_copy(bufs[b].at[:, off0 + i], stage_sh.at[s, i])

            @pl.when(i + NBUF < ROWS_PER_W)
            def _():
                fire(i + NBUF, b)
        return carry

    lax.fori_loop(0, ROWS_PER_W // NBUF, group, 0)

    pltpu.sync_copy(stage_sh.at[s], out_v)
    pltpu.sync_copy(out_v, out_hbm.at[pl.ds(row0, ROWS_PER_W)])


@jax.jit
def _gather(dataT, idx):
    mesh = plsc.VectorSubcoreMesh(core_axis_name="c", subcore_axis_name="s")
    return pl.kernel(
        _gather_body,
        mesh=mesh,
        out_type=jax.ShapeDtypeStruct((R, B), jnp.float32),
        scratch_types=[
            pltpu.VMEM((ROWS_PER_W, B), jnp.int32),
            pltpu.VMEM((ROWS_PER_W, B), jnp.float32),
            pltpu.VMEM_SHARED((NS, ROWS_PER_W, B), jnp.float32),
            pltpu.VMEM((B, WIN), jnp.float32),
            pltpu.VMEM((B, WIN), jnp.float32),
            pltpu.SemaphoreType.DMA,
            pltpu.SemaphoreType.DMA,
        ],
    )(dataT, idx)


def kernel(data, idx):
    return _gather(data.T, idx)

# --- scband reference (transcript-rebuilt; emitter-appended) ---
"""Pipeline reference for scband-fast-gather-last-dim-64510408786465 (READ-ONLY COPY).

The authoritative reference and input builder live on the scoring server;
editing this copy changes nothing except your own understanding.
"""

import jax, jax.numpy as jnp
import numpy as np


def setup_inputs(seed: int = 0) -> dict:
    key = jax.random.key(seed)
    k1, k2 = jax.random.split(key)
    data = jax.random.normal(k1, (1024, 100000), dtype=jnp.float32)
    idx = jax.random.randint(k2, (1024, 128), 0, 100000, dtype=jnp.int32)
    return {"data": data, "idx": idx}


def reference(data, idx):
    # Faithful translation of the CPU/fallback path: torch.gather(data, -1, idx)
    # gather along the last dimension.
    return jnp.take_along_axis(data, idx, axis=-1)

if __name__ == "__main__":
    import jax
    _d = setup_inputs()
    print(jax.jit(kernel)(*tuple(_d.values())))

</pallas_src>

<mosaic_0001>
#map = affine_map<(d0, d1) -> (0, 0)>
module attributes {stable_mosaic.version = 14 : i64} {
  func.func @_gather_body(%arg0: i32, %arg1: i32, %arg2: memref<100000x1024xf32, #tpu.memory_space<hbm>>, %arg3: memref<1024x128xi32, #tpu.memory_space<hbm>>, %arg4: memref<1024x128xf32, #tpu.memory_space<hbm>>, %arg5: memref<32x128xi32, #tpu.memory_space<vmem>>, %arg6: memref<32x128xf32, #tpu.memory_space<vmem>>, %arg7: memref<16x32x128xf32, #tpu.memory_space<vmem_shared>>, %arg8: memref<128x128xf32, #tpu.memory_space<vmem>>, %arg9: memref<128x128xf32, #tpu.memory_space<vmem>>, %arg10: memref<!tpu.dma_semaphore, #tpu.memory_space<semaphore_mem>>, %arg11: memref<!tpu.dma_semaphore, #tpu.memory_space<semaphore_mem>>) attributes {dimension_semantics = [#tpu.dimension_semantics<core_parallel>, #tpu.dimension_semantics<subcore_parallel>], iteration_bounds = array<i64: 2, 16>, scalar_prefetch = 0 : i64, scratch_operands = 7 : i64, tpu.core_type = #tpu.core_type<sc_vector_subcore>, window_params = [{transform_indices = #map}, {transform_indices = #map}, {transform_indices = #map}]} {
    %mul3A = arith.constant 2 : i32
    %mul3A_0 = arith.muli %arg1, %mul3A : i32
    %add3A = arith.addi %mul3A_0, %arg0 : i32
    %mul3A_1 = arith.constant 32 : i32
    %mul3A_2 = arith.muli %add3A, %mul3A_1 : i32
    %jit3A = arith.constant 128 : i32
    %div3A = arith.divsi %mul3A_2, %jit3A : i32
    %sign3A = arith.constant 0 : i32
    %sign3A_3 = arith.cmpi sgt, %mul3A_2, %sign3A : i32
    %sign3A_4 = arith.extui %sign3A_3 : i1 to i32
    %sign3A_5 = arith.constant 0 : i32
    %sign3A_6 = arith.cmpi slt, %mul3A_2, %sign3A_5 : i32
    %sign3A_7 = arith.extui %sign3A_6 : i1 to i32
    %sign3A_8 = arith.subi %sign3A_4, %sign3A_7 : i32
    %sign3A_9 = arith.constant 0 : i32
    %sign3A_10 = arith.cmpi sgt, %jit3A, %sign3A_9 : i32
    %sign3A_11 = arith.extui %sign3A_10 : i1 to i32
    %sign3A_12 = arith.constant 0 : i32
    %sign3A_13 = arith.cmpi slt, %jit3A, %sign3A_12 : i32
    %sign3A_14 = arith.extui %sign3A_13 : i1 to i32
    %sign3A_15 = arith.subi %sign3A_11, %sign3A_14 : i32
    %ne3A = arith.cmpi ne, %sign3A_8, %sign3A_15 : i32
    %rem3A = arith.remsi %mul3A_2, %jit3A : i32
    %ne3A_16 = arith.constant 0 : i32
    %ne3A_17 = arith.cmpi ne, %rem3A, %ne3A_16 : i32
    %and3A = arith.andi %ne3A, %ne3A_17 : i1
    %sub3A = arith.constant 1 : i32
    %sub3A_18 = arith.subi %div3A, %sub3A : i32
    %select_n3A = arith.select %and3A, %sub3A_18, %div3A : i32
    %mul3A_19 = arith.constant 128 : i32
    %mul3A_20 = arith.muli %select_n3A, %mul3A_19 : i32
    %multiple_of3A = tpu.assume_multiple %mul3A_20, 128 : i32
    %sub3A_21 = arith.subi %mul3A_2, %multiple_of3A : i32
    "tpu.region"() ({
      %run_scoped3A = tpu.sem_alloc : memref<!tpu.dma_semaphore, #tpu.memory_space<semaphore_mem>>
      %dma_start3A_38 = arith.constant 0 : i32
      %dma_start3A_39 = tpu.memref_slice %arg3[%mul3A_2, %dma_start3A_38] : memref<1024x128xi32, #tpu.memory_space<hbm>> -> memref<32x128xi32, #tpu.memory_space<hbm>>
      %dma_start3A_40 = arith.constant 0 : i32
      %dma_start3A_41 = tpu.memref_slice %arg3[%mul3A_2, %dma_start3A_40] : memref<1024x128xi32, #tpu.memory_space<hbm>> -> memref<32x128xi32, #tpu.memory_space<hbm>>
      tpu.enqueue_dma source(%dma_start3A_41 : memref<32x128xi32, #tpu.memory_space<hbm>>) target(%arg5 : memref<32x128xi32, #tpu.memory_space<vmem>>) target_semaphore(%run_scoped3A : memref<!tpu.dma_semaphore, #tpu.memory_space<semaphore_mem>>)
      %dma_wait3A = arith.constant 0 : i32
      %dma_wait3A_42 = tpu.memref_slice %arg3[%mul3A_2, %dma_wait3A] : memref<1024x128xi32, #tpu.memory_space<hbm>> -> memref<32x128xi32, #tpu.memory_space<hbm>>
      %dma_wait3A_43 = arith.constant 0 : i32
      %dma_wait3A_44 = tpu.memref_slice %arg3[%mul3A_2, %dma_wait3A_43] : memref<1024x128xi32, #tpu.memory_space<hbm>> -> memref<32x128xi32, #tpu.memory_space<hbm>>
      tpu.wait_dma2 semaphore(%run_scoped3A : memref<!tpu.dma_semaphore, #tpu.memory_space<semaphore_mem>>) src(%dma_wait3A_44 : memref<32x128xi32, #tpu.memory_space<hbm>>) dst(%arg5 : memref<32x128xi32, #tpu.memory_space<vmem>>)
      tpu.yield
    }) : () -> ()
    %dma_start3A = arith.constant 0 : i32
    %dma_start3A_22 = arith.constant 0 : i32
    %dma_start3A_23 = tpu.memref_slice %arg5[%dma_start3A, %dma_start3A_22] : memref<32x128xi32, #tpu.memory_space<vmem>> -> memref<1x128xi32, #tpu.memory_space<vmem>>
    %dma_start3A_24 = tpu.memref_squeeze %dma_start3A_23 : memref<1x128xi32, #tpu.memory_space<vmem>> -> memref<128xi32, #tpu.memory_space<vmem>>
    %dma_start3A_25 = arith.constant 0 : i32
    %dma_start3A_26 = tpu.memref_slice %arg2[%dma_start3A_25, %multiple_of3A] : memref<100000x1024xf32, #tpu.memory_space<hbm>> -> memref<100000x128xf32, #tpu.memory_space<hbm>>
    tpu.enqueue_indirect_dma source(%dma_start3A_26 : memref<100000x128xf32, #tpu.memory_space<hbm>>) target(%arg8 : memref<128x128xf32, #tpu.memory_space<vmem>>) offsets(%dma_start3A_24 : memref<128xi32, #tpu.memory_space<vmem>>) semaphore(%arg10 : memref<!tpu.dma_semaphore, #tpu.memory_space<semaphore_mem>>)
    %dma_start3A_27 = arith.constant 1 : i32
    %dma_start3A_28 = arith.constant 0 : i32
    %dma_start3A_29 = tpu.memref_slice %arg5[%dma_start3A_27, %dma_start3A_28] : memref<32x128xi32, #tpu.memory_space<vmem>> -> memref<1x128xi32, #tpu.memory_space<vmem>>
    %dma_start3A_30 = tpu.memref_squeeze %dma_start3A_29 : memref<1x128xi32, #tpu.memory_space<vmem>> -> memref<128xi32, #tpu.memory_space<vmem>>
    %dma_start3A_31 = arith.constant 0 : i32
    %dma_start3A_32 = tpu.memref_slice %arg2[%dma_start3A_31, %multiple_of3A] : memref<100000x1024xf32, #tpu.memory_space<hbm>> -> memref<100000x128xf32, #tpu.memory_space<hbm>>
    tpu.enqueue_indirect_dma source(%dma_start3A_32 : memref<100000x128xf32, #tpu.memory_space<hbm>>) target(%arg9 : memref<128x128xf32, #tpu.memory_space<vmem>>) offsets(%dma_start3A_30 : memref<128xi32, #tpu.memory_space<vmem>>) semaphore(%arg11 : memref<!tpu.dma_semaphore, #tpu.memory_space<semaphore_mem>>)
    %scan3A = arith.constant 0 : i32
    %scan3A_33 = arith.constant 0 : i32
    %scan3A_34 = arith.constant 16 : i32
    %scan3A_35 = arith.addi %scan3A_33, %scan3A_34 : i32
    %scan3A_36 = arith.constant 1 : i32
    scf.for %scan3A_38 = %scan3A_33 to %scan3A_35 step %scan3A_36  : i32 {
      %mul3A_39 = arith.constant 2 : i32
      %mul3A_40 = arith.muli %scan3A_38, %mul3A_39 : i32
      %add3A_41 = arith.constant 0 : i32
      %add3A_42 = arith.addi %mul3A_40, %add3A_41 : i32
      %dma_wait3A = arith.constant 0 : i32
      %dma_wait3A_43 = tpu.memref_slice %arg5[%add3A_42, %dma_wait3A] : memref<32x128xi32, #tpu.memory_space<vmem>> -> memref<1x128xi32, #tpu.memory_space<vmem>>
      %dma_wait3A_44 = tpu.memref_squeeze %dma_wait3A_43 : memref<1x128xi32, #tpu.memory_space<vmem>> -> memref<128xi32, #tpu.memory_space<vmem>>
      %dma_wait3A_45 = arith.constant 0 : i32
      %dma_wait3A_46 = tpu.memref_slice %arg2[%dma_wait3A_45, %multiple_of3A] : memref<100000x1024xf32, #tpu.memory_space<hbm>> -> memref<100000x128xf32, #tpu.memory_space<hbm>>
      tpu.wait_indirect_dma semaphore(%arg10 : memref<!tpu.dma_semaphore, #tpu.memory_space<semaphore_mem>>) src(%dma_wait3A_46 : memref<100000x128xf32, #tpu.memory_space<hbm>>) dst(%arg8 : memref<128x128xf32, #tpu.memory_space<vmem>>)
      %add3A_47 = arith.addi %sub3A_21, %add3A_42 : i32
      "tpu.region"() ({
        %run_scoped3A = tpu.sem_alloc : memref<!tpu.dma_semaphore, #tpu.memory_space<semaphore_mem>>
        %dma_start3A_69 = arith.constant 0 : i32
        %dma_start3A_70 = tpu.memref_slice %arg8[%dma_start3A_69, %add3A_47] : memref<128x128xf32, #tpu.memory_space<vmem>> -> memref<128x1xf32, #tpu.memory_space<vmem>>
        %dma_start3A_71 = tpu.memref_squeeze %dma_start3A_70 : memref<128x1xf32, #tpu.memory_space<vmem>> -> memref<128xf32, #tpu.memory_space<vmem>>
        %dma_start3A_72 = arith.constant 0 : i32
        %dma_start3A_73 = tpu.memref_slice %arg7[%arg1, %add3A_42, %dma_start3A_72] : memref<16x32x128xf32, #tpu.memory_space<vmem_shared>> -> memref<1x1x128xf32, #tpu.memory_space<vmem_shared>>
        %dma_start3A_74 = tpu.memref_squeeze %dma_start3A_73 : memref<1x1x128xf32, #tpu.memory_space<vmem_shared>> -> memref<128xf32, #tpu.memory_space<vmem_shared>>
        %dma_start3A_75 = arith.constant 0 : i32
        %dma_start3A_76 = tpu.memref_slice %arg7[%arg1, %add3A_42, %dma_start3A_75] : memref<16x32x128xf32, #tpu.memory_space<vmem_shared>> -> memref<1x1x128xf32, #tpu.memory_space<vmem_shared>>
        %dma_start3A_77 = tpu.memref_squeeze %dma_start3A_76 : memref<1x1x128xf32, #tpu.memory_space<vmem_shared>> -> memref<128xf32, #tpu.memory_space<vmem_shared>>
        %dma_start3A_78 = arith.constant 0 : i32
        %dma_start3A_79 = tpu.memref_slice %arg8[%dma_start3A_78, %add3A_47] : memref<128x128xf32, #tpu.memory_space<vmem>> -> memref<128x1xf32, #tpu.memory_space<vmem>>
        %dma_start3A_80 = tpu.memref_squeeze %dma_start3A_79 : memref<128x1xf32, #tpu.memory_space<vmem>> -> memref<128xf32, #tpu.memory_space<vmem>>
        tpu.enqueue_dma source(%dma_start3A_80 : memref<128xf32, #tpu.memory_space<vmem>>) target(%dma_start3A_77 : memref<128xf32, #tpu.memory_space<vmem_shared>>) target_semaphore(%run_scoped3A : memref<!tpu.dma_semaphore, #tpu.memory_space<semaphore_mem>>)
        %dma_wait3A_81 = arith.constant 0 : i32
        %dma_wait3A_82 = tpu.memref_slice %arg8[%dma_wait3A_81, %add3A_47] : memref<128x128xf32, #tpu.memory_space<vmem>> -> memref<128x1xf32, #tpu.memory_space<vmem>>
        %dma_wait3A_83 = tpu.memref_squeeze %dma_wait3A_82 : memref<128x1xf32, #tpu.memory_space<vmem>> -> memref<128xf32, #tpu.memory_space<vmem>>
        %dma_wait3A_84 = arith.constant 0 : i32
        %dma_wait3A_85 = tpu.memref_slice %arg7[%arg1, %add3A_42, %dma_wait3A_84] : memref<16x32x128xf32, #tpu.memory_space<vmem_shared>> -> memref<1x1x128xf32, #tpu.memory_space<vmem_shared>>
        %dma_wait3A_86 = tpu.memref_squeeze %dma_wait3A_85 : memref<1x1x128xf32, #tpu.memory_space<vmem_shared>> -> memref<128xf32, #tpu.memory_space<vmem_shared>>
        %dma_wait3A_87 = arith.constant 0 : i32
        %dma_wait3A_88 = tpu.memref_slice %arg7[%arg1, %add3A_42, %dma_wait3A_87] : memref<16x32x128xf32, #tpu.memory_space<vmem_shared>> -> memref<1x1x128xf32, #tpu.memory_space<vmem_shared>>
        %dma_wait3A_89 = tpu.memref_squeeze %dma_wait3A_88 : memref<1x1x128xf32, #tpu.memory_space<vmem_shared>> -> memref<128xf32, #tpu.memory_space<vmem_shared>>
        %dma_wait3A_90 = arith.constant 0 : i32
        %dma_wait3A_91 = tpu.memref_slice %arg8[%dma_wait3A_90, %add3A_47] : memref<128x128xf32, #tpu.memory_space<vmem>> -> memref<128x1xf32, #tpu.memory_space<vmem>>
        %dma_wait3A_92 = tpu.memref_squeeze %dma_wait3A_91 : memref<128x1xf32, #tpu.memory_space<vmem>> -> memref<128xf32, #tpu.memory_space<vmem>>
        tpu.wait_dma2 semaphore(%run_scoped3A : memref<!tpu.dma_semaphore, #tpu.memory_space<semaphore_mem>>) src(%dma_wait3A_92 : memref<128xf32, #tpu.memory_space<vmem>>) dst(%dma_wait3A_89 : memref<128xf32, #tpu.memory_space<vmem_shared>>)
        tpu.yield
      }) : () -> ()
      %add3A_48 = arith.constant 2 : i32
      %add3A_49 = arith.addi %add3A_42, %add3A_48 : i32
      %lt3A = arith.constant 32 : i32
      %lt3A_50 = arith.cmpi slt, %add3A_49, %lt3A : i32
      %convert_element_type3A = arith.extui %lt3A_50 : i1 to i32
      %cond3A = arith.constant 0 : i32
      %cond3A_51 = arith.cmpi ne, %convert_element_type3A, %cond3A : i32
      scf.if %cond3A_51 {
        %add3A_69 = arith.constant 2 : i32
        %add3A_70 = arith.addi %add3A_42, %add3A_69 : i32
        %dma_start3A_71 = arith.constant 0 : i32
        %dma_start3A_72 = tpu.memref_slice %arg5[%add3A_70, %dma_start3A_71] : memref<32x128xi32, #tpu.memory_space<vmem>> -> memref<1x128xi32, #tpu.memory_space<vmem>>
        %dma_start3A_73 = tpu.memref_squeeze %dma_start3A_72 : memref<1x128xi32, #tpu.memory_space<vmem>> -> memref<128xi32, #tpu.memory_space<vmem>>
        %dma_start3A_74 = arith.constant 0 : i32
        %dma_start3A_75 = tpu.memref_slice %arg2[%dma_start3A_74, %multiple_of3A] : memref<100000x1024xf32, #tpu.memory_space<hbm>> -> memref<100000x128xf32, #tpu.memory_space<hbm>>
        tpu.enqueue_indirect_dma source(%dma_start3A_75 : memref<100000x128xf32, #tpu.memory_space<hbm>>) target(%arg8 : memref<128x128xf32, #tpu.memory_space<vmem>>) offsets(%dma_start3A_73 : memref<128xi32, #tpu.memory_space<vmem>>) semaphore(%arg10 : memref<!tpu.dma_semaphore, #tpu.memory_space<semaphore_mem>>)
      } else {
      }
      %mul3A_52 = arith.constant 2 : i32
      %mul3A_53 = arith.muli %scan3A_38, %mul3A_52 : i32
      %add3A_54 = arith.constant 1 : i32
      %add3A_55 = arith.addi %mul3A_53, %add3A_54 : i32
      %dma_wait3A_56 = arith.constant 0 : i32
      %dma_wait3A_57 = tpu.memref_slice %arg5[%add3A_55, %dma_wait3A_56] : memref<32x128xi32, #tpu.memory_space<vmem>> -> memref<1x128xi32, #tpu.memory_space<vmem>>
      %dma_wait3A_58 = tpu.memref_squeeze %dma_wait3A_57 : memref<1x128xi32, #tpu.memory_space<vmem>> -> memref<128xi32, #tpu.memory_space<vmem>>
      %dma_wait3A_59 = arith.constant 0 : i32
      %dma_wait3A_60 = tpu.memref_slice %arg2[%dma_wait3A_59, %multiple_of3A] : memref<100000x1024xf32, #tpu.memory_space<hbm>> -> memref<100000x128xf32, #tpu.memory_space<hbm>>
      tpu.wait_indirect_dma semaphore(%arg11 : memref<!tpu.dma_semaphore, #tpu.memory_space<semaphore_mem>>) src(%dma_wait3A_60 : memref<100000x128xf32, #tpu.memory_space<hbm>>) dst(%arg9 : memref<128x128xf32, #tpu.memory_space<vmem>>)
      %add3A_61 = arith.addi %sub3A_21, %add3A_55 : i32
      "tpu.region"() ({
        %run_scoped3A = tpu.sem_alloc : memref<!tpu.dma_semaphore, #tpu.memory_space<semaphore_mem>>
        %dma_start3A_69 = arith.constant 0 : i32
        %dma_start3A_70 = tpu.memref_slice %arg9[%dma_start3A_69, %add3A_61] : memref<128x128xf32, #tpu.memory_space<vmem>> -> memref<128x1xf32, #tpu.memory_space<vmem>>
        %dma_start3A_71 = tpu.memref_squeeze %dma_start3A_70 : memref<128x1xf32, #tpu.memory_space<vmem>> -> memref<128xf32, #tpu.memory_space<vmem>>
        %dma_start3A_72 = arith.constant 0 : i32
        %dma_start3A_73 = tpu.memref_slice %arg7[%arg1, %add3A_55, %dma_start3A_72] : memref<16x32x128xf32, #tpu.memory_space<vmem_shared>> -> memref<1x1x128xf32, #tpu.memory_space<vmem_shared>>
        %dma_start3A_74 = tpu.memref_squeeze %dma_start3A_73 : memref<1x1x128xf32, #tpu.memory_space<vmem_shared>> -> memref<128xf32, #tpu.memory_space<vmem_shared>>
        %dma_start3A_75 = arith.constant 0 : i32
        %dma_start3A_76 = tpu.memref_slice %arg7[%arg1, %add3A_55, %dma_start3A_75] : memref<16x32x128xf32, #tpu.memory_space<vmem_shared>> -> memref<1x1x128xf32, #tpu.memory_space<vmem_shared>>
        %dma_start3A_77 = tpu.memref_squeeze %dma_start3A_76 : memref<1x1x128xf32, #tpu.memory_space<vmem_shared>> -> memref<128xf32, #tpu.memory_space<vmem_shared>>
        %dma_start3A_78 = arith.constant 0 : i32
        %dma_start3A_79 = tpu.memref_slice %arg9[%dma_start3A_78, %add3A_61] : memref<128x128xf32, #tpu.memory_space<vmem>> -> memref<128x1xf32, #tpu.memory_space<vmem>>
        %dma_start3A_80 = tpu.memref_squeeze %dma_start3A_79 : memref<128x1xf32, #tpu.memory_space<vmem>> -> memref<128xf32, #tpu.memory_space<vmem>>
        tpu.enqueue_dma source(%dma_start3A_80 : memref<128xf32, #tpu.memory_space<vmem>>) target(%dma_start3A_77 : memref<128xf32, #tpu.memory_space<vmem_shared>>) target_semaphore(%run_scoped3A : memref<!tpu.dma_semaphore, #tpu.memory_space<semaphore_mem>>)
        %dma_wait3A_81 = arith.constant 0 : i32
        %dma_wait3A_82 = tpu.memref_slice %arg9[%dma_wait3A_81, %add3A_61] : memref<128x128xf32, #tpu.memory_space<vmem>> -> memref<128x1xf32, #tpu.memory_space<vmem>>
        %dma_wait3A_83 = tpu.memref_squeeze %dma_wait3A_82 : memref<128x1xf32, #tpu.memory_space<vmem>> -> memref<128xf32, #tpu.memory_space<vmem>>
        %dma_wait3A_84 = arith.constant 0 : i32
        %dma_wait3A_85 = tpu.memref_slice %arg7[%arg1, %add3A_55, %dma_wait3A_84] : memref<16x32x128xf32, #tpu.memory_space<vmem_shared>> -> memref<1x1x128xf32, #tpu.memory_space<vmem_shared>>
        %dma_wait3A_86 = tpu.memref_squeeze %dma_wait3A_85 : memref<1x1x128xf32, #tpu.memory_space<vmem_shared>> -> memref<128xf32, #tpu.memory_space<vmem_shared>>
        %dma_wait3A_87 = arith.constant 0 : i32
        %dma_wait3A_88 = tpu.memref_slice %arg7[%arg1, %add3A_55, %dma_wait3A_87] : memref<16x32x128xf32, #tpu.memory_space<vmem_shared>> -> memref<1x1x128xf32, #tpu.memory_space<vmem_shared>>
        %dma_wait3A_89 = tpu.memref_squeeze %dma_wait3A_88 : memref<1x1x128xf32, #tpu.memory_space<vmem_shared>> -> memref<128xf32, #tpu.memory_space<vmem_shared>>
        %dma_wait3A_90 = arith.constant 0 : i32
        %dma_wait3A_91 = tpu.memref_slice %arg9[%dma_wait3A_90, %add3A_61] : memref<128x128xf32, #tpu.memory_space<vmem>> -> memref<128x1xf32, #tpu.memory_space<vmem>>
        %dma_wait3A_92 = tpu.memref_squeeze %dma_wait3A_91 : memref<128x1xf32, #tpu.memory_space<vmem>> -> memref<128xf32, #tpu.memory_space<vmem>>
        tpu.wait_dma2 semaphore(%run_scoped3A : memref<!tpu.dma_semaphore, #tpu.memory_space<semaphore_mem>>) src(%dma_wait3A_92 : memref<128xf32, #tpu.memory_space<vmem>>) dst(%dma_wait3A_89 : memref<128xf32, #tpu.memory_space<vmem_shared>>)
        tpu.yield
      }) : () -> ()
      %add3A_62 = arith.constant 2 : i32
      %add3A_63 = arith.addi %add3A_55, %add3A_62 : i32
      %lt3A_64 = arith.constant 32 : i32
      %lt3A_65 = arith.cmpi slt, %add3A_63, %lt3A_64 : i32
      %convert_element_type3A_66 = arith.extui %lt3A_65 : i1 to i32
      %cond3A_67 = arith.constant 0 : i32
      %cond3A_68 = arith.cmpi ne, %convert_element_type3A_66, %cond3A_67 : i32
      scf.if %cond3A_68 {
        %add3A_69 = arith.constant 2 : i32
        %add3A_70 = arith.addi %add3A_55, %add3A_69 : i32
        %dma_start3A_71 = arith.constant 0 : i32
        %dma_start3A_72 = tpu.memref_slice %arg5[%add3A_70, %dma_start3A_71] : memref<32x128xi32, #tpu.memory_space<vmem>> -> memref<1x128xi32, #tpu.memory_space<vmem>>
        %dma_start3A_73 = tpu.memref_squeeze %dma_start3A_72 : memref<1x128xi32, #tpu.memory_space<vmem>> -> memref<128xi32, #tpu.memory_space<vmem>>
        %dma_start3A_74 = arith.constant 0 : i32
        %dma_start3A_75 = tpu.memref_slice %arg2[%dma_start3A_74, %multiple_of3A] : memref<100000x1024xf32, #tpu.memory_space<hbm>> -> memref<100000x128xf32, #tpu.memory_space<hbm>>
        tpu.enqueue_indirect_dma source(%dma_start3A_75 : memref<100000x128xf32, #tpu.memory_space<hbm>>) target(%arg9 : memref<128x128xf32, #tpu.memory_space<vmem>>) offsets(%dma_start3A_73 : memref<128xi32, #tpu.memory_space<vmem>>) semaphore(%arg11 : memref<!tpu.dma_semaphore, #tpu.memory_space<semaphore_mem>>)
      } else {
      }
    }
    %scan3A_37 = arith.constant 16 : i32
    "tpu.region"() ({
      %run_scoped3A = tpu.sem_alloc : memref<!tpu.dma_semaphore, #tpu.memory_space<semaphore_mem>>
      %dma_start3A_38 = arith.constant 0 : i32
      %dma_start3A_39 = arith.constant 0 : i32
      %dma_start3A_40 = tpu.memref_slice %arg7[%arg1, %dma_start3A_38, %dma_start3A_39] : memref<16x32x128xf32, #tpu.memory_space<vmem_shared>> -> memref<1x32x128xf32, #tpu.memory_space<vmem_shared>>
      %dma_start3A_41 = tpu.memref_squeeze %dma_start3A_40 : memref<1x32x128xf32, #tpu.memory_space<vmem_shared>> -> memref<32x128xf32, #tpu.memory_space<vmem_shared>>
      %dma_start3A_42 = arith.constant 0 : i32
      %dma_start3A_43 = arith.constant 0 : i32
      %dma_start3A_44 = tpu.memref_slice %arg7[%arg1, %dma_start3A_42, %dma_start3A_43] : memref<16x32x128xf32, #tpu.memory_space<vmem_shared>> -> memref<1x32x128xf32, #tpu.memory_space<vmem_shared>>
      %dma_start3A_45 = tpu.memref_squeeze %dma_start3A_44 : memref<1x32x128xf32, #tpu.memory_space<vmem_shared>> -> memref<32x128xf32, #tpu.memory_space<vmem_shared>>
      tpu.enqueue_dma source(%dma_start3A_45 : memref<32x128xf32, #tpu.memory_space<vmem_shared>>) target(%arg6 : memref<32x128xf32, #tpu.memory_space<vmem>>) target_semaphore(%run_scoped3A : memref<!tpu.dma_semaphore, #tpu.memory_space<semaphore_mem>>)
      %dma_wait3A = arith.constant 0 : i32
      %dma_wait3A_46 = arith.constant 0 : i32
      %dma_wait3A_47 = tpu.memref_slice %arg7[%arg1, %dma_wait3A, %dma_wait3A_46] : memref<16x32x128xf32, #tpu.memory_space<vmem_shared>> -> memref<1x32x128xf32, #tpu.memory_space<vmem_shared>>
      %dma_wait3A_48 = tpu.memref_squeeze %dma_wait3A_47 : memref<1x32x128xf32, #tpu.memory_space<vmem_shared>> -> memref<32x128xf32, #tpu.memory_space<vmem_shared>>
      %dma_wait3A_49 = arith.constant 0 : i32
      %dma_wait3A_50 = arith.constant 0 : i32
      %dma_wait3A_51 = tpu.memref_slice %arg7[%arg1, %dma_wait3A_49, %dma_wait3A_50] : memref<16x32x128xf32, #tpu.memory_space<vmem_shared>> -> memref<1x32x128xf32, #tpu.memory_space<vmem_shared>>
      %dma_wait3A_52 = tpu.memref_squeeze %dma_wait3A_51 : memref<1x32x128xf32, #tpu.memory_space<vmem_shared>> -> memref<32x128xf32, #tpu.memory_space<vmem_shared>>
      tpu.wait_dma2 semaphore(%run_scoped3A : memref<!tpu.dma_semaphore, #tpu.memory_space<semaphore_mem>>) src(%dma_wait3A_52 : memref<32x128xf32, #tpu.memory_space<vmem_shared>>) dst(%arg6 : memref<32x128xf32, #tpu.memory_space<vmem>>)
      tpu.yield
    }) : () -> ()
    "tpu.region"() ({
      %run_scoped3A = tpu.sem_alloc : memref<!tpu.dma_semaphore, #tpu.memory_space<semaphore_mem>>
      %dma_start3A_38 = arith.constant 0 : i32
      %dma_start3A_39 = tpu.memref_slice %arg4[%mul3A_2, %dma_start3A_38] : memref<1024x128xf32, #tpu.memory_space<hbm>> -> memref<32x128xf32, #tpu.memory_space<hbm>>
      %dma_start3A_40 = arith.constant 0 : i32
      %dma_start3A_41 = tpu.memref_slice %arg4[%mul3A_2, %dma_start3A_40] : memref<1024x128xf32, #tpu.memory_space<hbm>> -> memref<32x128xf32, #tpu.memory_space<hbm>>
      tpu.enqueue_dma source(%arg6 : memref<32x128xf32, #tpu.memory_space<vmem>>) target(%dma_start3A_41 : memref<32x128xf32, #tpu.memory_space<hbm>>) target_semaphore(%run_scoped3A : memref<!tpu.dma_semaphore, #tpu.memory_space<semaphore_mem>>)
      %dma_wait3A = arith.constant 0 : i32
      %dma_wait3A_42 = tpu.memref_slice %arg4[%mul3A_2, %dma_wait3A] : memref<1024x128xf32, #tpu.memory_space<hbm>> -> memref<32x128xf32, #tpu.memory_space<hbm>>
      %dma_wait3A_43 = arith.constant 0 : i32
      %dma_wait3A_44 = tpu.memref_slice %arg4[%mul3A_2, %dma_wait3A_43] : memref<1024x128xf32, #tpu.memory_space<hbm>> -> memref<32x128xf32, #tpu.memory_space<hbm>>
      tpu.wait_dma2 semaphore(%run_scoped3A : memref<!tpu.dma_semaphore, #tpu.memory_space<semaphore_mem>>) src(%arg6 : memref<32x128xf32, #tpu.memory_space<vmem>>) dst(%dma_wait3A_44 : memref<32x128xf32, #tpu.memory_space<hbm>>)
      tpu.yield
    }) : () -> ()
    return
  }
}

</mosaic_0001>

<sc_bundles>
// kernel: _gather.3.cloned.1.call-start
scs
__scs_entry_jumppad:
0x0: {  	(pc) =	sbr.rel $0x88, $3  }
0x1: {  	(tag) =	ssettag $0x0;
	lr =	simm.s32 $0x1  }
0x2: {  	[smem:$0x3F9F] =	sst lr;
	_ =	strace $0xD0000000  }
0x3: {  	_ = 	snop  }
0x4: {  	_ = 	snop  }
0x5: {  	_ = 	snop  }
0x6: {  	_ = 	snop  }
0x7: {  	_ = 	snop  }
__scs_overlays_trampoline_lowered:
0x8: {  	[smem:$0x3FAE] =	sst s0  }
0x9: {  	[smem:$0x3FAF] =	sst s1  }
0xa: {  	[smem:$0x3FB0] =	sst s2  }
0xb: {  	[smem:$0x3FB1] =	sst s3  }
0xc: {  	[smem:$0x3FB2] =	sst s4  }
0xd: {  	[smem:$0x3FB3] =	sst s5  }
0xe: {  	[smem:$0x3FB4] =	sst s6  }
0xf: {  	[smem:$0x3FB5] =	sst s7  }
0x10: {  	[smem:$0x3FB6] =	sst s8  }
0x11: {  	[smem:$0x3FB7] =	sst s9;
	s0 =	simm.s32 @!p0 $0x0  }
0x12: {  	s1 =	sld [smem:$0x3F9D];
	s0 =	simm.s32 @p0 $0x1  }
0x13: {  	[smem:$0x3FB8] =	sst s0;
	s0 =	simm.s32 @!p1 $0x0  }
0x14: {  	s2 =	sld [smem:$0x3F9C];
	s0 =	simm.s32 @p1 $0x1  }
0x15: {  	[smem:$0x3FB9] =	sst s0;
	s0 =	simm.s32 @!p2 $0x0  }
0x16: {  	s3 =	sld [smem:$0x3FDB];
	s0 =	simm.s32 @p2 $0x1  }
0x17: {  	s4 =	simm.s32 $0x1BF5;
	[smem:$0x3FBB] =	sst s0  }
0x18: {  	s0 =	sld [smem:$0x3F9E];
	_ =	swait.ge [sflag:s4], $0x0  }
0x19: {  	s7 =	sld [smem:$0x3F9F]  }
0x1a: {  	s8 =	sadd.s32 $0xFFFFE003, lr  }
0x1b: {  	s9 =	sadd.s32 $0xFFFFFEF7, lr;
	s5 =	simm.s32 $0xFFFFFFFF;
	p2 =	slt.u32 s8, $0xFFFFF086  }
0x1c: {  	p1 =	slt.u32 s9, $0xF7A;
	s5 =	simm.s32 @!p2 $0x0  }
0x1d: {  	s5 =	simm.s32 @p1 $0x1;
	p0 =	seq.s32 s7, s2  }
0x1e: {  	s7 =	smul.u32 @!p0 $0xF7A, s2;
	p2 =	seq.s32 @!p0 s5, $0x0  }
0x1f: {  	s9 =	smul.u32 $0xF7A, s1;
	s8 =	simm.s32 @!p0 $0x1BF5;
	p2 =	por !p2, p0  }
0x20: {  	[sflag:s8] =	ssyncset.s32 @!p0 $0xFFFFF086;
	s6 =	sadd.s32 @!p0 s3, s7;
	s7 =	simm.s32 @!p0 $0x108  }
0x21: {  	s3 =	sadd.s32 s3, s9;
	s6 =	sadd.s32 @!p0 $0x88, s6;
	s7 =	simm.s32 @p2 $0x1082  }
0x22: {  	[simem:s7], [sflag:s8] =	dma.local @!p0 [hbm:s6], $0xF7A  }
0x23: {  	s9 =	sor.u32 $0xD0000000, s2;
	s6 =	simm.s32 $0x108;
	_ =	swait.ge @!p0 [sflag:s8], $0x0  }
0x24: {  	s3 =	sadd.s32 $0x88, s3;
	s6 =	simm.s32 @!p1 $0x1082;
	[sflag:s4] =	ssyncset.s32 $0xFFFFF086  }
0x25: {  	[simem:s6], [sflag:s4] =	dma.local [hbm:s3], $0xF7A  }
0x26: {  	[smem:$0x3F9F] =	sst s1;
	(tag) =	ssettag s2;
	_ =	strace s9  }
0x27: {  	s1 =	sld [smem:$0x3FAF]  }
0x28: {  	s2 =	sld [smem:$0x3FB0]  }
0x29: {  	s4 =	sld [smem:$0x3FB2]  }
0x2a: {  	p0 =	seq.s32 s5, $0x0;
	s5 =	sld [smem:$0x3FB3]  }
0x2b: {  	s6 =	sld [smem:$0x3FB4]  }
0x2c: {  	s7 =	sld [smem:$0x3FB5]  }
0x2d: {  	s3 =	simm.s32 $0x108;
	s8 =	sld [smem:$0x3FB6]  }
0x2e: {  	s3 =	simm.s32 @!p0 $0x1082;
	s9 =	sld [smem:$0x3FB7]  }
0x2f: {  	lr =	sadd.s32 s0, s3;
	s0 =	sld [smem:$0x3FAE]  }
0x30: {  	s3 =	sld [smem:$0x3FB1]  }
0x31: {  	[smem:$0x3FBA] =	sst s10  }
0x32: {  	s10 =	sld [smem:$0x3FB8];
	_ =	sdelay $0x3  }
0x33: {  	p0 =	seq.s32 s10, $0x1;
	s10 =	sld [smem:$0x3FBA];
	_ =	sdelay $0x3  }
0x34: {  	[smem:$0x3FBA] =	sst s10  }
0x35: {  	s10 =	sld [smem:$0x3FB9];
	_ =	sdelay $0x3  }
0x36: {  	p1 =	seq.s32 s10, $0x1;
	s10 =	sld [smem:$0x3FBA];
	_ =	sdelay $0x3  }
0x37: {  	[smem:$0x3FBA] =	sst s10  }
0x38: {  	s10 =	sld [smem:$0x3FBB]  }
0x39: {  	_ = 	snop;
	(pc) =	sbr.ind lr, $3  }
0x3a: {  	_ = 	snop  }
0x3b: {  	_ = 	snop  }
0x3c: {  	p2 =	seq.s32 s10, $0x1;
	s10 =	sld [smem:$0x3FBA]  }
0x3d: {  	_ =	shalt  }
0x3e: {  	_ =	shalt  }
0x3f: {  	_ =	shalt  }
0x40: {  	_ =	shalt  }
0x41: {  	_ =	shalt  }
0x42: {  	_ =	shalt  }
0x43: {  	_ =	shalt  }
0x44: {  	_ =	shalt  }
0x45: {  	_ =	shalt  }
0x46: {  	_ =	shalt  }
0x47: {  	_ =	shalt  }
0x48: {  	_ =	shalt  }
0x49: {  	_ =	shalt  }
0x4a: {  	_ =	shalt  }
0x4b: {  	_ =	shalt  }
0x4c: {  	_ =	shalt  }
0x4d: {  	_ =	shalt  }
0x4e: {  	_ =	shalt  }
0x4f: {  	_ =	shalt  }
0x50: {  	_ =	shalt  }
0x51: {  	_ =	shalt  }
0x52: {  	_ =	shalt  }
0x53: {  	_ =	shalt  }
0x54: {  	_ =	shalt  }
0x55: {  	_ =	shalt  }
0x56: {  	_ =	shalt  }
0x57: {  	_ =	shalt  }
0x58: {  	_ =	shalt  }
0x59: {  	_ =	shalt  }
0x5a: {  	_ =	shalt  }
0x5b: {  	_ =	shalt  }
0x5c: {  	_ =	shalt  }
0x5d: {  	_ =	shalt  }
0x5e: {  	_ =	shalt  }
0x5f: {  	_ =	shalt  }
0x60: {  	_ =	shalt  }
0x61: {  	_ =	shalt  }
0x62: {  	_ =	shalt  }
0x63: {  	_ =	shalt  }
0x64: {  	_ =	shalt  }
0x65: {  	_ =	shalt  }
0x66: {  	_ =	shalt  }
0x67: {  	_ =	shalt  }
0x68: {  	_ =	shalt  }
0x69: {  	_ =	shalt  }
0x6a: {  	_ =	shalt  }
0x6b: {  	_ =	shalt  }
0x6c: {  	_ =	shalt  }
0x6d: {  	_ =	shalt  }
0x6e: {  	_ =	shalt  }
0x6f: {  	_ =	shalt  }
0x70: {  	_ =	shalt  }
0x71: {  	_ =	shalt  }
0x72: {  	_ =	shalt  }
0x73: {  	_ =	shalt  }
0x74: {  	_ =	shalt  }
0x75: {  	_ =	shalt  }
0x76: {  	_ =	shalt  }
0x77: {  	_ =	shalt  }
0x78: {  	_ =	shalt  }
0x79: {  	_ =	shalt  }
0x7a: {  	_ =	shalt  }
0x7b: {  	_ =	shalt  }
0x7c: {  	_ =	shalt  }
0x7d: {  	_ =	shalt  }
0x7e: {  	_ =	shalt  }
0x7f: {  	_ =	shalt  }
0x80: {  	_ =	shalt  }
0x81: {  	_ =	shalt  }
0x82: {  	_ =	shalt  }
0x83: {  	_ =	shalt  }
0x84: {  	_ =	shalt  }
0x85: {  	_ =	shalt  }
0x86: {  	_ =	shalt  }
0x87: {  	_ =	shalt  }
.Lfunc_end0:
.L_simem_size_0:
called_computation_lowered:
.L_overlay_start_0:
0x88: {  	s2 =	sld [smem:$0x3FD9]  }
0x89: {  	s3 =	sld [smem:$0x3FFE];
	_ =	sdelay $0x1  }
0x8a: {  	s1 =	srdreg.scid  }
0x8b: {  	s0 =	sand.u32 $0x1, s1  }
0x8c: {  	s18 =	sshll.u32 s0, $0xA;
	s2 =	sadd.s32 s3, s2  }
0x8d: {  	s2 =	sadd.s32 s2, s18  }
0x8e: {  	[smem:$0x3FC6] =	sst s2  }
0x8f: {  	_ = 	snop  }
0x90: {  	s2 =	sld [smem:$0x3FC9]  }
0x91: {  	s19 =	sld [smem:$0x3FC8]  }
0x92: {  	s4 =	sld [smem:$0x3FD0];
	(tm) =	ssettm $0x1  }
0x93: {  	s5 =	sld [smem:$0x3FFB];
	_ =	sdelay $0x3  }
0x94: {  	_ =	strace s5  }
0x95: {  	s5 =	sld [smem:$0x3FFC];
	_ =	sdelay $0x3  }
0x96: {  	_ =	strace s5  }
0x97: {  	s5 =	sld [smem:$0x3FFD];
	_ =	sdelay $0x3  }
0x98: {  	_ =	strace s5  }
0x99: {  	_ =	strace $0x8FFFFFFF  }
0x9a: {  	s20 =	sld [smem:$0x3FDB];
	_ =	sdelay $0x1  }
0x9b: {  	s6 =	simm.s32 $_scs_section_size  }
0x9c: {  	s7 =	simm.s32 $_size__tile_overlayer_lowered;
	s8 =	simm.s32 $_tile_overlayer_lowered  }
0x9d: {  	s23 =	simm.s32 $0x1BFF;
	s22 =	sshll.u32 s8, $0x1;
	s5 =	sadd.s32 s6, s20  }
0x9e: {  	s9 =	simm.s32 $0x0;
	s21 =	sshll.u32 s7, $0x1;
	s7 =	sadd.s32 s22, s5  }
0x9f: {  	[timem:s9], [sflag:s23] =	dma.local [hbm:s7], s21  }
0xa0: {  	_ =	swait.ge [sflag:s23], s21  }
0xa1: {  	s6 =	ssub.s32 $0x0, s21;
	[sflag:s23] =	ssyncset.done $0x0  }
0xa2: {  	[sflag:s23] =	ssyncadd.s32 s6;
	_ =	sdelay $0x1  }
0xa3: {  	s24 =	simm.s32 $0x1B8B  }
0xa4: {  	_ =	swait.ge [sflag:s24], $0x1  }
0xa5: {  	[sflag:s24] =	ssyncset.done $0x0  }
0xa6: {  	s25 =	simm.s32 $0x1B8E;
	[sflag:s24] =	ssyncadd.s32 $0xFFFFFFFF  }
0xa7: {  	s26 =	simm.s32 $execute0_lowered;
	[smem:$0x3FD2] =	sst s25  }
0xa8: {  	s6 =	sshll.u32 s26, $0x1;
	_ =	strace $0x80000046;
	[dreg:$0x1] =	wrdreg $0xFFFFFFFF  }
0xa9: {  	s28 =	simm.s32 $_size_execute0_lowered;
	s5 =	sadd.s32 s5, s6;
	[dreg:$0x0] =	wrdreg $0x0  }
0xaa: {  	s6 =	sshll.u32 s28, $0x1;
	[dreg:$0x2] =	wrdreg s5  }
0xab: {  	[dreg:$0x3] =	wrdreg s6  }
0xac: {  	[dreg:$0x4] =	wrdreg $0xC0  }
0xad: {  	_ =	task [dreg:s9], $0x5FFFF  }
0xae: {  	[dreg:$0x1] =	wrdreg $0xFFFFFFFF  }
0xaf: {  	[dreg:$0x0] =	wrdreg $0x60  }
0xb0: {  	[dreg:$0x2] =	wrdreg s2  }
0xb1: {  	[dreg:$0x3] =	wrdreg s19  }
0xb2: {  	[dreg:$0x4] =	wrdreg s4  }
0xb3: {  	[dreg:$0x5] =	wrdreg $0x20000  }
0xb4: {  	[dreg:$0x6] =	wrdreg $0x9  }
0xb5: {  	_ =	task.clear_ibuf [dreg:s9], $0x7FFFF;
	_ =	strace $0x90000046  }
0xb6: {  	s29 =	simm.s32 $0x9;
	_ =	strace $0x80000048  }
0xb7: {  	_ =	swait.ge [sflag:s29], $0x1  }
0xb8: {  	[sflag:s29] =	ssyncadd.s32 $0xFFFFFFFF  }
0xb9: {  	_ =	strace $0x90000048  }
0xba: {  	_ =	sfence  }
0xbb: {  	s30 =	sld [smem:$0x0];
	_ =	sdelay $0x2  }
0xbc: {  	s31 =	sshll.u32 s1, $0xD;
	s1 =	sshrl.u32 s1, $0x2  }
0xbd: {  	s3 =	sand.u32 $0x4000, s31;
	s1 =	sadd.s32 s1, s30  }
0xbe: {  	s0 =	sor.u32 s3, s0;
	s1 =	sshll.u32 s1, $0x11  }
0xbf: {  	s0 =	sor.u32 s1, s0  }
0xc0: {  	s0 =	sadd.s32 $0x8F2B, s0  }
0xc1: {  	[sflag:s0] =	ssyncadd.remote.s32 $0x1  }
0xc2: {  	_ =	sfence.sel $0xFFFF  }
0xc3: {  	[dreg:$0x0] =	wrdreg $0xFFFFFFFF;
	(pc) =	sbr.abs _section_cstart, $3  }
0xc4: {  	[dreg:$0x1] =	wrdreg $0xFFFFFFFF  }
0xc5: {  	_ =	task.clear_ibuf [dreg:s9], $0x2FFFF;
	_ =	strace $0x9FFFFFFF  }
0xc6: {  	(tm) =	ssettm $0x7FFFFFFF  }
0xc7: {  	_ =	shalt  }
tec
execute0_lowered:
.L_overlay_start_1:
0x0: {  	(tag) =	ssettag $0x1  }
0x1: {  	s0 =	rddreg [dreg:$0x0]  }
0x2: {  	s1 =	rddreg [dreg:$0x1]  }
0x3: {  	s3 =	rddreg [dreg:$0x2]  }
0x4: {  	s5 =	rddreg [dreg:$0x3];
	s4 =	srdreg.scid;
	s2 =	simm.s32 $0x0  }
0x5: {  	s10 =	stileid.u32;
	s11 =	simm.s32 $0x3;
	s28 =	simm.s32 $0xA780  }
0x6: {  	s29 =	simm.s32 $0xA800;
	s30 =	simm.s32 $0xA880;
	s31 =	simm.s32 $0xA900  }
0x7: {  	s12 =	simm.s32 $0xAE00;
	s13 =	simm.s32 $0xAE80;
	s14 =	simm.s32 $0xAF00  }
0x8: {  	s15 =	simm.s32 $0xAF80;
	s16 =	simm.s32 $0x1;
	s17 =	simm.s32 $0x2  }
0x9: {  	s4 =	sand.u32 $0x1, s4;
	[smem:$0x7FF] =	sst s2;
	s8 =	sshll.u32 s10, $0x6  }
0xa: {  	s21 =	sshll.u32 s10, $0xC;
	s10 =	simm.s32 $0xAB00;
	s6 =	ssub.s32 $0x2, s4  }
0xb: {  	s4 =	sshll.u32 s4, $0x5;
	_ =	strace $0x80000047;
	s20 =	sand.u32 $0x380, s8  }
0xc: {  	s21 =	sadd.s32 s21, s5;
	s5 =	simm.s32 $0xAA00;
	s7 =	sshrl.u32 s6, $0x1  }
0xd: {  	s19 =	sor.u32 s4, s8;
	s4 =	sadd.s32 s0, s20;
	s26 =	sadd.s32 $0x80, s21  }
0xe: {  	s8 =	simm.s32 $0xAA80;
	[dreg:$0x6] =	wrdreg s21;
	s6 =	ssub.s32 s6, s7  }
0xf: {  	v0 =	vimm.s32 $0x7;
	s9 =	sshll.u32 s19, $0x4;
	s24 =	sand.u32 $0x60, s19;
	[dreg:$0xa] =	wrdreg s26  }
0x10: {  	v1 =	vimm.s32 $0x3;
	v2 =	vimm.s32 $0x0;
	v3 =	vlaneseq.u32;
	s7 =	simm.s32 $0xAC80;
	s19 =	simm.s32 $0x0;
	s1 =	sadd.s32 s1, s9  }
.Ltmp0:
0x11: {  	vm0 =	vmmov $0x1;
	v4 =	vimm.s32 $0x1;
	v5 =	vimm.s32 $0x2;
	s22 =	sadd.s32 s3, s9;
	[dreg:$0x5] =	wrdreg s1;
	(pc) =	sbr.rel .LBB2_1-.Ltmp0, $4  }
0x12: {  	v6 =	vimm.s32 $0x4;
	v7 =	vimm.s32 $0x5;
	v8 =	vimm.s32 $0x6;
	s23 =	smax.u32 s6, $0x1;
	s25 =	sor.u32 $0x3000, s24;
	[dreg:$0x7] =	wrdreg s22  }
0x13: {  	v9 =	vimm.s32 $0x8;
	v10 =	vimm.s32 $0x9;
	v11 =	vimm.s32 $0xA;
	s0 =	sor.u32 $0x7001, s24;
	s3 =	simm.s32 $0xAD00;
	[dreg:$0x8] =	wrdreg s23  }
0x14: {  	v12 =	vimm.s32 $0xB;
	v13 =	vimm.s32 $0xC;
	v14 =	vimm.s32 $0xD;
	s6 =	simm.s32 $0xAC00;
	s9 =	simm.s32 $0xAB80;
	[dreg:$0x9] =	wrdreg s25  }
0x15: {  	v15 =	vimm.s32 $0xE;
	v16 =	vimm.s32 $0xF;
	v3 =	vmul.u32 $0x8, v3;
	[dreg:$0xb] =	wrdreg s0;
	s0 =	simm.s32 $0xA980;
	s1 =	simm.s32 $0xAD80  }
.LBB2_10:
0x16: {  	s21 =	rddreg [dreg:$0x6];
	s19 =	simm.s32 $0x1000  }
0x17: {  	[tilespmem:s19], [sflag:$0x3] =	stream.linear.gather [spmem:s21], $0x1000, $0x38;
	[tilespmem:$0xB000] =	vst v63  }
0x18: {  	_ =	swait.ge [sflag:s11], $0x1000  }
0x19: {  	[sflag:s11] =	ssyncset.done $0x0  }
0x1a: {  	s18 =	rddreg [dreg:$0x7];
	[sflag:s11] =	ssyncadd.s32 $0xFFFFF000  }
0x1b: {  	[hbm4b:s18+s2] =	stream.linear.scatter [tilespmem:s19], [sflag:$0x3], $0x1000, $0x38;
	[tilespmem:$0xB000] =	vst v63  }
0x1c: {  	_ =	swait.ge [sflag:s11], $0x1000  }
0x1d: {  	s25 =	rddreg [dreg:$0xc]  }
0x1e: {  	s26 =	rddreg [dreg:$0x8];
	s19 =	sadd.s32 $0x1, s25  }
0x1f: {  	p0 =	sne.s32 s19, s26  }
.Ltmp1:
0x20: {  	_ = 	snop;
	(pc) =	sbr.rel @!p0 .LBB2_11-.Ltmp1, $3  }
0x21: {  	_ =	sdelay $0x1  }
0x22: {  	[sflag:s11] =	ssyncset.done $0x0  }
0x23: {  	[sflag:s11] =	ssyncadd.s32 $0xFFFFF000  }
.LBB2_1:
0x24: {  	[dreg:$0xc] =	wrdreg s19  }
0x25: {  	s18 =	rddreg [dreg:$0x5]  }
0x26: {  	[tilespmem:s2], [sflag:$0x3] =	stream.linear.gather [hbm4b:s18+s2], $0x1000, $0x38;
	[tilespmem:$0xB000] =	vst v63  }
0x27: {  	_ =	swait.ge [sflag:s11], $0x1000  }
0x28: {  	[sflag:s11] =	ssyncset.done $0x0  }
0x29: {  	[sflag:s11] =	ssyncadd.s32 $0xFFFFF000  }
0x2a: {  	v17 =	vld [tilespmem:$0x0];
	_ =	sdelay $0x4  }
0x2b: {  	v18 =	vshll.u32 v17, $0x3  }
0x2c: {  	v17 =	vand.u32 $0x7, v17;
	v18 =	vand.u32 $0xFFFFFFC0, v18  }
0x2d: {  	v17 =	vor.u32 v17, v18  }
0x2e: {  	v18 =	vperm.xlane v17, v2;
	_ =	sdelay $0x1  }
0x2f: {  	v19 =	vperm.xlane v17, v4;
	v18 =	vadd.s32 v3, v18;
	_ =	sdelay $0x1  }
0x30: {  	v20 =	vperm.xlane v17, v5;
	v19 =	vadd.s32 v3, v19;
	_ =	sdelay $0x1  }
0x31: {  	s26 =	simm.s32 $0x3000;
	v21 =	vperm.xlane v17, v1;
	v20 =	vadd.s32 v3, v20  }
0x32: {  	[tilespmem:s26], [sflag:$0x1] =	stream.indirect_vreg.gather [hbm4b:s4+s2], $0x80, v18, vm0, $0xb8;
	[tilespmem:$0xB000] =	vst v63  }
0x33: {  	s19 =	simm.s32 $0x3080;
	v34 =	vperm.xlane v17, v6;
	v18 =	vadd.s32 v3, v21  }
0x34: {  	[tilespmem:s19], [sflag:$0x1] =	stream.indirect_vreg.gather [hbm4b:s4+s2], $0x80, v19, vm0, $0xb8;
	[tilespmem:$0xB000] =	vst v63  }
0x35: {  	s20 =	simm.s32 $0x3100;
	v35 =	vperm.xlane v17, v7;
	v19 =	vadd.s32 v3, v34  }
0x36: {  	[tilespmem:s20], [sflag:$0x1] =	stream.indirect_vreg.gather [hbm4b:s4+s2], $0x80, v20, vm0, $0xb8;
	[tilespmem:$0xB000] =	vst v63  }
0x37: {  	s22 =	simm.s32 $0x3180;
	v37 =	vperm.xlane v17, v8;
	v36 =	vadd.s32 v3, v35  }
0x38: {  	[tilespmem:s22], [sflag:$0x1] =	stream.indirect_vreg.gather [hbm4b:s4+s2], $0x80, v18, vm0, $0xb8;
	[tilespmem:$0xB000] =	vst v63  }
0x39: {  	s23 =	simm.s32 $0x3200;
	v38 =	vperm.xlane v17, v0;
	v18 =	vadd.s32 v3, v37  }
0x3a: {  	[tilespmem:s23], [sflag:$0x1] =	stream.indirect_vreg.gather [hbm4b:s4+s2], $0x80, v19, vm0, $0xb8;
	[tilespmem:$0xB000] =	vst v63  }
0x3b: {  	s24 =	simm.s32 $0x3280;
	v39 =	vperm.xlane v17, v9;
	v19 =	vadd.s32 v3, v38  }
0x3c: {  	[tilespmem:s24], [sflag:$0x1] =	stream.indirect_vreg.gather [hbm4b:s4+s2], $0x80, v36, vm0, $0xb8;
	[tilespmem:$0xB000] =	vst v63  }
0x3d: {  	s25 =	simm.s32 $0x3300;
	v41 =	vperm.xlane v17, v10;
	v40 =	vadd.s32 v3, v39  }
0x3e: {  	[tilespmem:s25], [sflag:$0x1] =	stream.indirect_vreg.gather [hbm4b:s4+s2], $0x80, v18, vm0, $0xb8;
	[tilespmem:$0xB000] =	vst v63  }
0x3f: {  	v42 =	vperm.xlane v17, v11;
	s26 =	simm.s32 $0x3380;
	v18 =	vadd.s32 v3, v41  }
0x40: {  	[tilespmem:s26], [sflag:$0x1] =	stream.indirect_vreg.gather [hbm4b:s4+s2], $0x80, v19, vm0, $0xb8;
	[tilespmem:$0xB000] =	vst v63  }
0x41: {  	v43 =	vperm.xlane v17, v12;
	s19 =	simm.s32 $0x3400;
	v19 =	vadd.s32 v3, v42  }
0x42: {  	[tilespmem:s19], [sflag:$0x1] =	stream.indirect_vreg.gather [hbm4b:s4+s2], $0x80, v40, vm0, $0xb8;
	[tilespmem:$0xB000] =	vst v63  }
0x43: {  	v45 =	vperm.xlane v17, v13;
	v44 =	vadd.s32 v3, v43;
	s20 =	simm.s32 $0x3480  }
0x44: {  	[tilespmem:s20], [sflag:$0x1] =	stream.indirect_vreg.gather [hbm4b:s4+s2], $0x80, v18, vm0, $0xb8;
	[tilespmem:$0xB000] =	vst v63  }
0x45: {  	v46 =	vperm.xlane v17, v14;
	s22 =	simm.s32 $0x3500;
	v18 =	vadd.s32 v3, v45  }
0x46: {  	[tilespmem:s22], [sflag:$0x1] =	stream.indirect_vreg.gather [hbm4b:s4+s2], $0x80, v19, vm0, $0xb8;
	[tilespmem:$0xB000] =	vst v63  }
0x47: {  	v47 =	vperm.xlane v17, v15;
	s23 =	simm.s32 $0x3580;
	v19 =	vadd.s32 v3, v46  }
0x48: {  	[tilespmem:s23], [sflag:$0x1] =	stream.indirect_vreg.gather [hbm4b:s4+s2], $0x80, v44, vm0, $0xb8;
	[tilespmem:$0xB000] =	vst v63  }
0x49: {  	v17 =	vperm.xlane v17, v16;
	v48 =	vadd.s32 v3, v47;
	s24 =	simm.s32 $0x3600  }
0x4a: {  	[tilespmem:s24], [sflag:$0x1] =	stream.indirect_vreg.gather [hbm4b:s4+s2], $0x80, v18, vm0, $0xb8;
	[tilespmem:$0xB000] =	vst v63  }
0x4b: {  	v17 =	vadd.s32 v3, v17;
	s25 =	simm.s32 $0x3680  }
0x4c: {  	[tilespmem:s25], [sflag:$0x1] =	stream.indirect_vreg.gather [hbm4b:s4+s2], $0x80, v19, vm0, $0xb8;
	[tilespmem:$0xB000] =	vst v63  }
0x4d: {  	s26 =	simm.s32 $0x3700  }
0x4e: {  	[tilespmem:s26], [sflag:$0x1] =	stream.indirect_vreg.gather [hbm4b:s4+s2], $0x80, v48, vm0, $0xb8;
	[tilespmem:$0xB000] =	vst v63  }
0x4f: {  	s19 =	simm.s32 $0x3780  }
0x50: {  	[tilespmem:s19], [sflag:$0x1] =	stream.indirect_vreg.gather [hbm4b:s4+s2], $0x80, v17, vm0, $0xb8;
	[tilespmem:$0xB000] =	vst v63  }
0x51: {  	v17 =	vld [tilespmem:$0x10];
	_ =	sdelay $0x4  }
0x52: {  	v18 =	vshll.u32 v17, $0x3  }
0x53: {  	v17 =	vand.u32 $0x7, v17;
	v18 =	vand.u32 $0xFFFFFFC0, v18  }
0x54: {  	v17 =	vor.u32 v17, v18  }
0x55: {  	v18 =	vperm.xlane v17, v2;
	_ =	sdelay $0x1  }
0x56: {  	v19 =	vperm.xlane v17, v4;
	v18 =	vadd.s32 v3, v18;
	_ =	sdelay $0x1  }
0x57: {  	v49 =	vperm.xlane v17, v5;
	v19 =	vadd.s32 v3, v19;
	_ =	sdelay $0x1  }
0x58: {  	s20 =	simm.s32 $0x3800;
	v50 =	vperm.xlane v17, v1;
	v20 =	vadd.s32 v3, v49  }
0x59: {  	[tilespmem:s20], [sflag:$0x1] =	stream.indirect_vreg.gather [hbm4b:s4+s2], $0x80, v18, vm0, $0xb8;
	[tilespmem:$0xB000] =	vst v63  }
0x5a: {  	s22 =	simm.s32 $0x3880;
	v51 =	vperm.xlane v17, v6;
	v18 =	vadd.s32 v3, v50  }
0x5b: {  	[tilespmem:s22], [sflag:$0x1] =	stream.indirect_vreg.gather [hbm4b:s4+s2], $0x80, v19, vm0, $0xb8;
	[tilespmem:$0xB000] =	vst v63  }
0x5c: {  	s23 =	simm.s32 $0x3900;
	v52 =	vperm.xlane v17, v7;
	v19 =	vadd.s32 v3, v51  }
0x5d: {  	[tilespmem:s23], [sflag:$0x1] =	stream.indirect_vreg.gather [hbm4b:s4+s2], $0x80, v20, vm0, $0xb8;
	[tilespmem:$0xB000] =	vst v63  }
0x5e: {  	s24 =	simm.s32 $0x3980;
	v54 =	vperm.xlane v17, v8;
	v53 =	vadd.s32 v3, v52  }
0x5f: {  	[tilespmem:s24], [sflag:$0x1] =	stream.indirect_vreg.gather [hbm4b:s4+s2], $0x80, v18, vm0, $0xb8;
	[tilespmem:$0xB000] =	vst v63  }
0x60: {  	s25 =	simm.s32 $0x3A00;
	v55 =	vperm.xlane v17, v0;
	v18 =	vadd.s32 v3, v54  }
0x61: {  	[tilespmem:s25], [sflag:$0x1] =	stream.indirect_vreg.gather [hbm4b:s4+s2], $0x80, v19, vm0, $0xb8;
	[tilespmem:$0xB000] =	vst v63  }
0x62: {  	s26 =	simm.s32 $0x3A80;
	v56 =	vperm.xlane v17, v9;
	v19 =	vadd.s32 v3, v55  }
0x63: {  	[tilespmem:s26], [sflag:$0x1] =	stream.indirect_vreg.gather [hbm4b:s4+s2], $0x80, v53, vm0, $0xb8;
	[tilespmem:$0xB000] =	vst v63  }
0x64: {  	s19 =	simm.s32 $0x3B00;
	v58 =	vperm.xlane v17, v10;
	v57 =	vadd.s32 v3, v56  }
0x65: {  	[tilespmem:s19], [sflag:$0x1] =	stream.indirect_vreg.gather [hbm4b:s4+s2], $0x80, v18, vm0, $0xb8;
	[tilespmem:$0xB000] =	vst v63  }
0x66: {  	v59 =	vperm.xlane v17, v11;
	s20 =	simm.s32 $0x3B80;
	v18 =	vadd.s32 v3, v58  }
0x67: {  	[tilespmem:s20], [sflag:$0x1] =	stream.indirect_vreg.gather [hbm4b:s4+s2], $0x80, v19, vm0, $0xb8;
	[tilespmem:$0xB000] =	vst v63  }
0x68: {  	v60 =	vperm.xlane v17, v12;
	s22 =	simm.s32 $0x3C00;
	v19 =	vadd.s32 v3, v59  }
0x69: {  	[tilespmem:s22], [sflag:$0x1] =	stream.indirect_vreg.gather [hbm4b:s4+s2], $0x80, v57, vm0, $0xb8;
	[tilespmem:$0xB000] =	vst v63  }
0x6a: {  	v62 =	vperm.xlane v17, v13;
	v61 =	vadd.s32 v3, v60;
	s23 =	simm.s32 $0x3C80  }
0x6b: {  	[tilespmem:s23], [sflag:$0x1] =	stream.indirect_vreg.gather [hbm4b:s4+s2], $0x80, v18, vm0, $0xb8;
	[tilespmem:$0xB000] =	vst v63  }
0x6c: {  	v63 =	vperm.xlane v17, v14;
	s24 =	simm.s32 $0x3D00;
	v18 =	vadd.s32 v3, v62  }
0x6d: {  	[tilespmem:s24], [sflag:$0x1] =	stream.indirect_vreg.gather [hbm4b:s4+s2], $0x80, v19, vm0, $0xb8;
	[tilespmem:$0xB000] =	vst v63  }
0x6e: {  	v24 =	vperm.xlane v17, v15;
	s25 =	simm.s32 $0x3D80;
	v19 =	vadd.s32 v3, v63  }
0x6f: {  	[tilespmem:s25], [sflag:$0x1] =	stream.indirect_vreg.gather [hbm4b:s4+s2], $0x80, v61, vm0, $0xb8;
	[tilespmem:$0xB000] =	vst v63  }
0x70: {  	v17 =	vperm.xlane v17, v16;
	v25 =	vadd.s32 v3, v24;
	s26 =	simm.s32 $0x3E00  }
0x71: {  	[tilespmem:s26], [sflag:$0x1] =	stream.indirect_vreg.gather [hbm4b:s4+s2], $0x80, v18, vm0, $0xb8;
	[tilespmem:$0xB000] =	vst v63  }
0x72: {  	v17 =	vadd.s32 v3, v17;
	s19 =	simm.s32 $0x3E80  }
0x73: {  	[tilespmem:s19], [sflag:$0x1] =	stream.indirect_vreg.gather [hbm4b:s4+s2], $0x80, v19, vm0, $0xb8;
	[tilespmem:$0xB000] =	vst v63  }
0x74: {  	s20 =	simm.s32 $0x3F00  }
0x75: {  	[tilespmem:s20], [sflag:$0x1] =	stream.indirect_vreg.gather [hbm4b:s4+s2], $0x80, v25, vm0, $0xb8;
	[tilespmem:$0xB000] =	vst v63  }
0x76: {  	s22 =	simm.s32 $0x3F80  }
0x77: {  	[tilespmem:s22], [sflag:$0x1] =	stream.indirect_vreg.gather [hbm4b:s4+s2], $0x80, v17, vm0, $0xb8;
	[tilespmem:$0xB000] =	vst v63  }
0x78: {  	v17 =	vld [tilespmem:$0x20];
	_ =	sdelay $0x4  }
0x79: {  	v18 =	vshll.u32 v17, $0x3  }
0x7a: {  	v17 =	vand.u32 $0x7, v17;
	v18 =	vand.u32 $0xFFFFFFC0, v18  }
0x7b: {  	v17 =	vor.u32 v17, v18  }
0x7c: {  	v18 =	vperm.xlane v17, v2;
	_ =	sdelay $0x1  }
0x7d: {  	v19 =	vperm.xlane v17, v4;
	v18 =	vadd.s32 v3, v18;
	_ =	sdelay $0x1  }
0x7e: {  	v26 =	vperm.xlane v17, v5;
	v19 =	vadd.s32 v3, v19;
	_ =	sdelay $0x1  }
0x7f: {  	s23 =	simm.s32 $0x4000;
	v27 =	vperm.xlane v17, v1;
	v20 =	vadd.s32 v3, v26  }
0x80: {  	[tilespmem:s23], [sflag:$0x1] =	stream.indirect_vreg.gather [hbm4b:s4+s2], $0x80, v18, vm0, $0xb8;
	[tilespmem:$0xB000] =	vst v63  }
0x81: {  	s24 =	simm.s32 $0x4080;
	v28 =	vperm.xlane v17, v6;
	v18 =	vadd.s32 v3, v27  }
0x82: {  	[tilespmem:s24], [sflag:$0x1] =	stream.indirect_vreg.gather [hbm4b:s4+s2], $0x80, v19, vm0, $0xb8;
	[tilespmem:$0xB000] =	vst v63  }
0x83: {  	s25 =	simm.s32 $0x4100;
	v29 =	vperm.xlane v17, v7;
	v19 =	vadd.s32 v3, v28  }
0x84: {  	[tilespmem:s25], [sflag:$0x1] =	stream.indirect_vreg.gather [hbm4b:s4+s2], $0x80, v20, vm0, $0xb8;
	[tilespmem:$0xB000] =	vst v63  }
0x85: {  	s26 =	simm.s32 $0x4180;
	v31 =	vperm.xlane v17, v8;
	v30 =	vadd.s32 v3, v29  }
0x86: {  	[tilespmem:s26], [sflag:$0x1] =	stream.indirect_vreg.gather [hbm4b:s4+s2], $0x80, v18, vm0, $0xb8;
	[tilespmem:$0xB000] =	vst v63  }
0x87: {  	s19 =	simm.s32 $0x4200;
	v32 =	vperm.xlane v17, v0;
	v18 =	vadd.s32 v3, v31  }
0x88: {  	[tilespmem:s19], [sflag:$0x1] =	stream.indirect_vreg.gather [hbm4b:s4+s2], $0x80, v19, vm0, $0xb8;
	[tilespmem:$0xB000] =	vst v63  }
0x89: {  	s20 =	simm.s32 $0x4280;
	v33 =	vperm.xlane v17, v9;
	v19 =	vadd.s32 v3, v32  }
0x8a: {  	[tilespmem:s20], [sflag:$0x1] =	stream.indirect_vreg.gather [hbm4b:s4+s2], $0x80, v30, vm0, $0xb8;
	[tilespmem:$0xB000] =	vst v63  }
0x8b: {  	s22 =	simm.s32 $0x4300;
	v35 =	vperm.xlane v17, v10;
	v34 =	vadd.s32 v3, v33  }
0x8c: {  	[tilespmem:s22], [sflag:$0x1] =	stream.indirect_vreg.gather [hbm4b:s4+s2], $0x80, v18, vm0, $0xb8;
	[tilespmem:$0xB000] =	vst v63  }
0x8d: {  	v36 =	vperm.xlane v17, v11;
	s23 =	simm.s32 $0x4380;
	v18 =	vadd.s32 v3, v35  }
0x8e: {  	[tilespmem:s23], [sflag:$0x1] =	stream.indirect_vreg.gather [hbm4b:s4+s2], $0x80, v19, vm0, $0xb8;
	[tilespmem:$0xB000] =	vst v63  }
0x8f: {  	v37 =	vperm.xlane v17, v12;
	s24 =	simm.s32 $0x4400;
	v19 =	vadd.s32 v3, v36  }
0x90: {  	[tilespmem:s24], [sflag:$0x1] =	stream.indirect_vreg.gather [hbm4b:s4+s2], $0x80, v34, vm0, $0xb8;
	[tilespmem:$0xB000] =	vst v63  }
0x91: {  	v39 =	vperm.xlane v17, v13;
	v38 =	vadd.s32 v3, v37;
	s25 =	simm.s32 $0x4480  }
0x92: {  	[tilespmem:s25], [sflag:$0x1] =	stream.indirect_vreg.gather [hbm4b:s4+s2], $0x80, v18, vm0, $0xb8;
	[tilespmem:$0xB000] =	vst v63  }
0x93: {  	v40 =	vperm.xlane v17, v14;
	s26 =	simm.s32 $0x4500;
	v18 =	vadd.s32 v3, v39  }
0x94: {  	[tilespmem:s26], [sflag:$0x1] =	stream.indirect_vreg.gather [hbm4b:s4+s2], $0x80, v19, vm0, $0xb8;
	[tilespmem:$0xB000] =	vst v63  }
0x95: {  	v41 =	vperm.xlane v17, v15;
	s19 =	simm.s32 $0x4580;
	v19 =	vadd.s32 v3, v40  }
0x96: {  	[tilespmem:s19], [sflag:$0x1] =	stream.indirect_vreg.gather [hbm4b:s4+s2], $0x80, v38, vm0, $0xb8;
	[tilespmem:$0xB000] =	vst v63  }
0x97: {  	v17 =	vperm.xlane v17, v16;
	v42 =	vadd.s32 v3, v41;
	s20 =	simm.s32 $0x4600  }
0x98: {  	[tilespmem:s20], [sflag:$0x1] =	stream.indirect_vreg.gather [hbm4b:s4+s2], $0x80, v18, vm0, $0xb8;
	[tilespmem:$0xB000] =	vst v63  }
0x99: {  	v17 =	vadd.s32 v3, v17;
	s22 =	simm.s32 $0x4680  }
0x9a: {  	[tilespmem:s22], [sflag:$0x1] =	stream.indirect_vreg.gather [hbm4b:s4+s2], $0x80, v19, vm0, $0xb8;
	[tilespmem:$0xB000] =	vst v63  }
0x9b: {  	s23 =	simm.s32 $0x4700  }
0x9c: {  	[tilespmem:s23], [sflag:$0x1] =	stream.indirect_vreg.gather [hbm4b:s4+s2], $0x80, v42, vm0, $0xb8;
	[tilespmem:$0xB000] =	vst v63  }
0x9d: {  	s24 =	simm.s32 $0x4780  }
0x9e: {  	[tilespmem:s24], [sflag:$0x1] =	stream.indirect_vreg.gather [hbm4b:s4+s2], $0x80, v17, vm0, $0xb8;
	[tilespmem:$0xB000] =	vst v63  }
0x9f: {  	v17 =	vld [tilespmem:$0x30];
	_ =	sdelay $0x4  }
0xa0: {  	v18 =	vshll.u32 v17, $0x3  }
0xa1: {  	v17 =	vand.u32 $0x7, v17;
	v18 =	vand.u32 $0xFFFFFFC0, v18  }
0xa2: {  	v17 =	vor.u32 v17, v18  }
0xa3: {  	v18 =	vperm.xlane v17, v2;
	_ =	sdelay $0x1  }
0xa4: {  	v19 =	vperm.xlane v17, v4;
	v18 =	vadd.s32 v3, v18;
	_ =	sdelay $0x1  }
0xa5: {  	v43 =	vperm.xlane v17, v5;
	v19 =	vadd.s32 v3, v19;
	_ =	sdelay $0x1  }
0xa6: {  	s25 =	simm.s32 $0x4800;
	v44 =	vperm.xlane v17, v1;
	v20 =	vadd.s32 v3, v43  }
0xa7: {  	[tilespmem:s25], [sflag:$0x1] =	stream.indirect_vreg.gather [hbm4b:s4+s2], $0x80, v18, vm0, $0xb8;
	[tilespmem:$0xB000] =	vst v63  }
0xa8: {  	s26 =	simm.s32 $0x4880;
	v45 =	vperm.xlane v17, v6;
	v18 =	vadd.s32 v3, v44  }
0xa9: {  	[tilespmem:s26], [sflag:$0x1] =	stream.indirect_vreg.gather [hbm4b:s4+s2], $0x80, v19, vm0, $0xb8;
	[tilespmem:$0xB000] =	vst v63  }
0xaa: {  	s19 =	simm.s32 $0x4900;
	v46 =	vperm.xlane v17, v7;
	v19 =	vadd.s32 v3, v45  }
0xab: {  	[tilespmem:s19], [sflag:$0x1] =	stream.indirect_vreg.gather [hbm4b:s4+s2], $0x80, v20, vm0, $0xb8;
	[tilespmem:$0xB000] =	vst v63  }
0xac: {  	s20 =	simm.s32 $0x4980;
	v48 =	vperm.xlane v17, v8;
	v47 =	vadd.s32 v3, v46  }
0xad: {  	[tilespmem:s20], [sflag:$0x1] =	stream.indirect_vreg.gather [hbm4b:s4+s2], $0x80, v18, vm0, $0xb8;
	[tilespmem:$0xB000] =	vst v63  }
0xae: {  	s22 =	simm.s32 $0x4A00;
	v49 =	vperm.xlane v17, v0;
	v18 =	vadd.s32 v3, v48  }
0xaf: {  	[tilespmem:s22], [sflag:$0x1] =	stream.indirect_vreg.gather [hbm4b:s4+s2], $0x80, v19, vm0, $0xb8;
	[tilespmem:$0xB000] =	vst v63  }
0xb0: {  	s23 =	simm.s32 $0x4A80;
	v50 =	vperm.xlane v17, v9;
	v19 =	vadd.s32 v3, v49  }
0xb1: {  	[tilespmem:s23], [sflag:$0x1] =	stream.indirect_vreg.gather [hbm4b:s4+s2], $0x80, v47, vm0, $0xb8;
	[tilespmem:$0xB000] =	vst v63  }
0xb2: {  	s24 =	simm.s32 $0x4B00;
	v52 =	vperm.xlane v17, v10;
	v51 =	vadd.s32 v3, v50  }
0xb3: {  	[tilespmem:s24], [sflag:$0x1] =	stream.indirect_vreg.gather [hbm4b:s4+s2], $0x80, v18, vm0, $0xb8;
	[tilespmem:$0xB000] =	vst v63  }
0xb4: {  	v53 =	vperm.xlane v17, v11;
	s25 =	simm.s32 $0x4B80;
	v18 =	vadd.s32 v3, v52  }
0xb5: {  	[tilespmem:s25], [sflag:$0x1] =	stream.indirect_vreg.gather [hbm4b:s4+s2], $0x80, v19, vm0, $0xb8;
	[tilespmem:$0xB000] =	vst v63  }
0xb6: {  	v54 =	vperm.xlane v17, v12;
	s26 =	simm.s32 $0x4C00;
	v19 =	vadd.s32 v3, v53  }
0xb7: {  	[tilespmem:s26], [sflag:$0x1] =	stream.indirect_vreg.gather [hbm4b:s4+s2], $0x80, v51, vm0, $0xb8;
	[tilespmem:$0xB000] =	vst v63  }
0xb8: {  	v56 =	vperm.xlane v17, v13;
	v55 =	vadd.s32 v3, v54;
	s19 =	simm.s32 $0x4C80  }
0xb9: {  	[tilespmem:s19], [sflag:$0x1] =	stream.indirect_vreg.gather [hbm4b:s4+s2], $0x80, v18, vm0, $0xb8;
	[tilespmem:$0xB000] =	vst v63  }
0xba: {  	v57 =	vperm.xlane v17, v14;
	s20 =	simm.s32 $0x4D00;
	v18 =	vadd.s32 v3, v56  }
0xbb: {  	[tilespmem:s20], [sflag:$0x1] =	stream.indirect_vreg.gather [hbm4b:s4+s2], $0x80, v19, vm0, $0xb8;
	[tilespmem:$0xB000] =	vst v63  }
0xbc: {  	v58 =	vperm.xlane v17, v15;
	s22 =	simm.s32 $0x4D80;
	v19 =	vadd.s32 v3, v57  }
0xbd: {  	[tilespmem:s22], [sflag:$0x1] =	stream.indirect_vreg.gather [hbm4b:s4+s2], $0x80, v55, vm0, $0xb8;
	[tilespmem:$0xB000] =	vst v63  }
0xbe: {  	v17 =	vperm.xlane v17, v16;
	v59 =	vadd.s32 v3, v58;
	s23 =	simm.s32 $0x4E00  }
0xbf: {  	[tilespmem:s23], [sflag:$0x1] =	stream.indirect_vreg.gather [hbm4b:s4+s2], $0x80, v18, vm0, $0xb8;
	[tilespmem:$0xB000] =	vst v63  }
0xc0: {  	v17 =	vadd.s32 v3, v17;
	s24 =	simm.s32 $0x4E80  }
0xc1: {  	[tilespmem:s24], [sflag:$0x1] =	stream.indirect_vreg.gather [hbm4b:s4+s2], $0x80, v19, vm0, $0xb8;
	[tilespmem:$0xB000] =	vst v63  }
0xc2: {  	s25 =	simm.s32 $0x4F00  }
0xc3: {  	[tilespmem:s25], [sflag:$0x1] =	stream.indirect_vreg.gather [hbm4b:s4+s2], $0x80, v59, vm0, $0xb8;
	[tilespmem:$0xB000] =	vst v63  }
0xc4: {  	s26 =	simm.s32 $0x4F80  }
0xc5: {  	[tilespmem:s26], [sflag:$0x1] =	stream.indirect_vreg.gather [hbm4b:s4+s2], $0x80, v17, vm0, $0xb8;
	[tilespmem:$0xB000] =	vst v63  }
0xc6: {  	v17 =	vld [tilespmem:$0x40];
	_ =	sdelay $0x4  }
0xc7: {  	v18 =	vshll.u32 v17, $0x3  }
0xc8: {  	v17 =	vand.u32 $0x7, v17;
	v18 =	vand.u32 $0xFFFFFFC0, v18  }
0xc9: {  	v17 =	vor.u32 v17, v18  }
0xca: {  	v18 =	vperm.xlane v17, v2;
	_ =	sdelay $0x1  }
0xcb: {  	v19 =	vperm.xlane v17, v4;
	v18 =	vadd.s32 v3, v18;
	_ =	sdelay $0x1  }
0xcc: {  	v60 =	vperm.xlane v17, v5;
	v19 =	vadd.s32 v3, v19;
	_ =	sdelay $0x1  }
0xcd: {  	s19 =	simm.s32 $0x5000;
	v61 =	vperm.xlane v17, v1;
	v20 =	vadd.s32 v3, v60  }
0xce: {  	[tilespmem:s19], [sflag:$0x1] =	stream.indirect_vreg.gather [hbm4b:s4+s2], $0x80, v18, vm0, $0xb8;
	[tilespmem:$0xB000] =	vst v63  }
0xcf: {  	s20 =	simm.s32 $0x5080;
	v62 =	vperm.xlane v17, v6;
	v18 =	vadd.s32 v3, v61  }
0xd0: {  	[tilespmem:s20], [sflag:$0x1] =	stream.indirect_vreg.gather [hbm4b:s4+s2], $0x80, v19, vm0, $0xb8;
	[tilespmem:$0xB000] =	vst v63  }
0xd1: {  	s22 =	simm.s32 $0x5100;
	v63 =	vperm.xlane v17, v7;
	v19 =	vadd.s32 v3, v62  }
0xd2: {  	[tilespmem:s22], [sflag:$0x1] =	stream.indirect_vreg.gather [hbm4b:s4+s2], $0x80, v20, vm0, $0xb8;
	[tilespmem:$0xB000] =	vst v63  }
0xd3: {  	s23 =	simm.s32 $0x5180;
	v25 =	vperm.xlane v17, v8;
	v24 =	vadd.s32 v3, v63  }
0xd4: {  	[tilespmem:s23], [sflag:$0x1] =	stream.indirect_vreg.gather [hbm4b:s4+s2], $0x80, v18, vm0, $0xb8;
	[tilespmem:$0xB000] =	vst v63  }
0xd5: {  	s24 =	simm.s32 $0x5200;
	v26 =	vperm.xlane v17, v0;
	v18 =	vadd.s32 v3, v25  }
0xd6: {  	[tilespmem:s24], [sflag:$0x1] =	stream.indirect_vreg.gather [hbm4b:s4+s2], $0x80, v19, vm0, $0xb8;
	[tilespmem:$0xB000] =	vst v63  }
0xd7: {  	s25 =	simm.s32 $0x5280;
	v27 =	vperm.xlane v17, v9;
	v19 =	vadd.s32 v3, v26  }
0xd8: {  	[tilespmem:s25], [sflag:$0x1] =	stream.indirect_vreg.gather [hbm4b:s4+s2], $0x80, v24, vm0, $0xb8;
	[tilespmem:$0xB000] =	vst v63  }
0xd9: {  	s26 =	simm.s32 $0x5300;
	v29 =	vperm.xlane v17, v10;
	v28 =	vadd.s32 v3, v27  }
0xda: {  	[tilespmem:s26], [sflag:$0x1] =	stream.indirect_vreg.gather [hbm4b:s4+s2], $0x80, v18, vm0, $0xb8;
	[tilespmem:$0xB000] =	vst v63  }
0xdb: {  	v30 =	vperm.xlane v17, v11;
	s19 =	simm.s32 $0x5380;
	v18 =	vadd.s32 v3, v29  }
0xdc: {  	[tilespmem:s19], [sflag:$0x1] =	stream.indirect_vreg.gather [hbm4b:s4+s2], $0x80, v19, vm0, $0xb8;
	[tilespmem:$0xB000] =	vst v63  }
0xdd: {  	v31 =	vperm.xlane v17, v12;
	s20 =	simm.s32 $0x5400;
	v19 =	vadd.s32 v3, v30  }
0xde: {  	[tilespmem:s20], [sflag:$0x1] =	stream.indirect_vreg.gather [hbm4b:s4+s2], $0x80, v28, vm0, $0xb8;
	[tilespmem:$0xB000] =	vst v63  }
0xdf: {  	v33 =	vperm.xlane v17, v13;
	v32 =	vadd.s32 v3, v31;
	s22 =	simm.s32 $0x5480  }
0xe0: {  	[tilespmem:s22], [sflag:$0x1] =	stream.indirect_vreg.gather [hbm4b:s4+s2], $0x80, v18, vm0, $0xb8;
	[tilespmem:$0xB000] =	vst v63  }
0xe1: {  	v34 =	vperm.xlane v17, v14;
	s23 =	simm.s32 $0x5500;
	v18 =	vadd.s32 v3, v33  }
0xe2: {  	[tilespmem:s23], [sflag:$0x1] =	stream.indirect_vreg.gather [hbm4b:s4+s2], $0x80, v19, vm0, $0xb8;
	[tilespmem:$0xB000] =	vst v63  }
0xe3: {  	v35 =	vperm.xlane v17, v15;
	s24 =	simm.s32 $0x5580;
	v19 =	vadd.s32 v3, v34  }
0xe4: {  	[tilespmem:s24], [sflag:$0x1] =	stream.indirect_vreg.gather [hbm4b:s4+s2], $0x80, v32, vm0, $0xb8;
	[tilespmem:$0xB000] =	vst v63  }
0xe5: {  	v17 =	vperm.xlane v17, v16;
	v36 =	vadd.s32 v3, v35;
	s25 =	simm.s32 $0x5600  }
0xe6: {  	[tilespmem:s25], [sflag:$0x1] =	stream.indirect_vreg.gather [hbm4b:s4+s2], $0x80, v18, vm0, $0xb8;
	[tilespmem:$0xB000] =	vst v63  }
0xe7: {  	v17 =	vadd.s32 v3, v17;
	s26 =	simm.s32 $0x5680  }
0xe8: {  	[tilespmem:s26], [sflag:$0x1] =	stream.indirect_vreg.gather [hbm4b:s4+s2], $0x80, v19, vm0, $0xb8;
	[tilespmem:$0xB000] =	vst v63  }
0xe9: {  	s19 =	simm.s32 $0x5700  }
0xea: {  	[tilespmem:s19], [sflag:$0x1] =	stream.indirect_vreg.gather [hbm4b:s4+s2], $0x80, v36, vm0, $0xb8;
	[tilespmem:$0xB000] =	vst v63  }
0xeb: {  	s20 =	simm.s32 $0x5780  }
0xec: {  	[tilespmem:s20], [sflag:$0x1] =	stream.indirect_vreg.gather [hbm4b:s4+s2], $0x80, v17, vm0, $0xb8;
	[tilespmem:$0xB000] =	vst v63  }
0xed: {  	v17 =	vld [tilespmem:$0x50];
	_ =	sdelay $0x4  }
0xee: {  	v18 =	vshll.u32 v17, $0x3  }
0xef: {  	v17 =	vand.u32 $0x7, v17;
	v18 =	vand.u32 $0xFFFFFFC0, v18  }
0xf0: {  	v17 =	vor.u32 v17, v18  }
0xf1: {  	v18 =	vperm.xlane v17, v2;
	_ =	sdelay $0x1  }
0xf2: {  	v19 =	vperm.xlane v17, v4;
	v18 =	vadd.s32 v3, v18;
	_ =	sdelay $0x1  }
0xf3: {  	v37 =	vperm.xlane v17, v5;
	v19 =	vadd.s32 v3, v19;
	_ =	sdelay $0x1  }
0xf4: {  	s22 =	simm.s32 $0x5800;
	v38 =	vperm.xlane v17, v1;
	v20 =	vadd.s32 v3, v37  }
0xf5: {  	[tilespmem:s22], [sflag:$0x1] =	stream.indirect_vreg.gather [hbm4b:s4+s2], $0x80, v18, vm0, $0xb8;
	[tilespmem:$0xB000] =	vst v63  }
0xf6: {  	s23 =	simm.s32 $0x5880;
	v39 =	vperm.xlane v17, v6;
	v18 =	vadd.s32 v3, v38  }
0xf7: {  	[tilespmem:s23], [sflag:$0x1] =	stream.indirect_vreg.gather [hbm4b:s4+s2], $0x80, v19, vm0, $0xb8;
	[tilespmem:$0xB000] =	vst v63  }
0xf8: {  	s24 =	simm.s32 $0x5900;
	v40 =	vperm.xlane v17, v7;
	v19 =	vadd.s32 v3, v39  }
0xf9: {  	[tilespmem:s24], [sflag:$0x1] =	stream.indirect_vreg.gather [hbm4b:s4+s2], $0x80, v20, vm0, $0xb8;
	[tilespmem:$0xB000] =	vst v63  }
0xfa: {  	s25 =	simm.s32 $0x5980;
	v42 =	vperm.xlane v17, v8;
	v41 =	vadd.s32 v3, v40  }
0xfb: {  	[tilespmem:s25], [sflag:$0x1] =	stream.indirect_vreg.gather [hbm4b:s4+s2], $0x80, v18, vm0, $0xb8;
	[tilespmem:$0xB000] =	vst v63  }
0xfc: {  	s26 =	simm.s32 $0x5A00;
	v43 =	vperm.xlane v17, v0;
	v18 =	vadd.s32 v3, v42  }
0xfd: {  	[tilespmem:s26], [sflag:$0x1] =	stream.indirect_vreg.gather [hbm4b:s4+s2], $0x80, v19, vm0, $0xb8;
	[tilespmem:$0xB000] =	vst v63  }
0xfe: {  	s19 =	simm.s32 $0x5A80;
	v44 =	vperm.xlane v17, v9;
	v19 =	vadd.s32 v3, v43  }
0xff: {  	[tilespmem:s19], [sflag:$0x1] =	stream.indirect_vreg.gather [hbm4b:s4+s2], $0x80, v41, vm0, $0xb8;
	[tilespmem:$0xB000] =	vst v63  }
0x100: {  	s20 =	simm.s32 $0x5B00;
	v46 =	vperm.xlane v17, v10;
	v45 =	vadd.s32 v3, v44  }
0x101: {  	[tilespmem:s20], [sflag:$0x1] =	stream.indirect_vreg.gather [hbm4b:s4+s2], $0x80, v18, vm0, $0xb8;
	[tilespmem:$0xB000] =	vst v63  }
0x102: {  	v47 =	vperm.xlane v17, v11;
	s22 =	simm.s32 $0x5B80;
	v18 =	vadd.s32 v3, v46  }
0x103: {  	[tilespmem:s22], [sflag:$0x1] =	stream.indirect_vreg.gather [hbm4b:s4+s2], $0x80, v19, vm0, $0xb8;
	[tilespmem:$0xB000] =	vst v63  }
0x104: {  	v48 =	vperm.xlane v17, v12;
	s23 =	simm.s32 $0x5C00;
	v19 =	vadd.s32 v3, v47  }
0x105: {  	[tilespmem:s23], [sflag:$0x1] =	stream.indirect_vreg.gather [hbm4b:s4+s2], $0x80, v45, vm0, $0xb8;
	[tilespmem:$0xB000] =	vst v63  }
0x106: {  	v50 =	vperm.xlane v17, v13;
	v49 =	vadd.s32 v3, v48;
	s24 =	simm.s32 $0x5C80  }
0x107: {  	[tilespmem:s24], [sflag:$0x1] =	stream.indirect_vreg.gather [hbm4b:s4+s2], $0x80, v18, vm0, $0xb8;
	[tilespmem:$0xB000] =	vst v63  }
0x108: {  	v51 =	vperm.xlane v17, v14;
	s25 =	simm.s32 $0x5D00;
	v18 =	vadd.s32 v3, v50  }
0x109: {  	[tilespmem:s25], [sflag:$0x1] =	stream.indirect_vreg.gather [hbm4b:s4+s2], $0x80, v19, vm0, $0xb8;
	[tilespmem:$0xB000] =	vst v63  }
0x10a: {  	v52 =	vperm.xlane v17, v15;
	s26 =	simm.s32 $0x5D80;
	v19 =	vadd.s32 v3, v51  }
0x10b: {  	[tilespmem:s26], [sflag:$0x1] =	stream.indirect_vreg.gather [hbm4b:s4+s2], $0x80, v49, vm0, $0xb8;
	[tilespmem:$0xB000] =	vst v63  }
0x10c: {  	v17 =	vperm.xlane v17, v16;
	v53 =	vadd.s32 v3, v52;
	s19 =	simm.s32 $0x5E00  }
0x10d: {  	[tilespmem:s19], [sflag:$0x1] =	stream.indirect_vreg.gather [hbm4b:s4+s2], $0x80, v18, vm0, $0xb8;
	[tilespmem:$0xB000] =	vst v63  }
0x10e: {  	v17 =	vadd.s32 v3, v17;
	s20 =	simm.s32 $0x5E80  }
0x10f: {  	[tilespmem:s20], [sflag:$0x1] =	stream.indirect_vreg.gather [hbm4b:s4+s2], $0x80, v19, vm0, $0xb8;
	[tilespmem:$0xB000] =	vst v63  }
0x110: {  	s22 =	simm.s32 $0x5F00  }
0x111: {  	[tilespmem:s22], [sflag:$0x1] =	stream.indirect_vreg.gather [hbm4b:s4+s2], $0x80, v53, vm0, $0xb8;
	[tilespmem:$0xB000] =	vst v63  }
0x112: {  	s23 =	simm.s32 $0x5F80  }
0x113: {  	[tilespmem:s23], [sflag:$0x1] =	stream.indirect_vreg.gather [hbm4b:s4+s2], $0x80, v17, vm0, $0xb8;
	[tilespmem:$0xB000] =	vst v63  }
0x114: {  	v17 =	vld [tilespmem:$0x60];
	_ =	sdelay $0x4  }
0x115: {  	v18 =	vshll.u32 v17, $0x3  }
0x116: {  	v17 =	vand.u32 $0x7, v17;
	v18 =	vand.u32 $0xFFFFFFC0, v18  }
0x117: {  	v17 =	vor.u32 v17, v18  }
0x118: {  	v18 =	vperm.xlane v17, v2;
	_ =	sdelay $0x1  }
0x119: {  	v19 =	vperm.xlane v17, v4;
	v18 =	vadd.s32 v3, v18;
	_ =	sdelay $0x1  }
0x11a: {  	v54 =	vperm.xlane v17, v5;
	v19 =	vadd.s32 v3, v19;
	_ =	sdelay $0x1  }
0x11b: {  	s24 =	simm.s32 $0x6000;
	v55 =	vperm.xlane v17, v1;
	v20 =	vadd.s32 v3, v54  }
0x11c: {  	[tilespmem:s24], [sflag:$0x1] =	stream.indirect_vreg.gather [hbm4b:s4+s2], $0x80, v18, vm0, $0xb8;
	[tilespmem:$0xB000] =	vst v63  }
0x11d: {  	s25 =	simm.s32 $0x6080;
	v56 =	vperm.xlane v17, v6;
	v18 =	vadd.s32 v3, v55  }
0x11e: {  	[tilespmem:s25], [sflag:$0x1] =	stream.indirect_vreg.gather [hbm4b:s4+s2], $0x80, v19, vm0, $0xb8;
	[tilespmem:$0xB000] =	vst v63  }
0x11f: {  	s26 =	simm.s32 $0x6100;
	v57 =	vperm.xlane v17, v7;
	v19 =	vadd.s32 v3, v56  }
0x120: {  	[tilespmem:s26], [sflag:$0x1] =	stream.indirect_vreg.gather [hbm4b:s4+s2], $0x80, v20, vm0, $0xb8;
	[tilespmem:$0xB000] =	vst v63  }
0x121: {  	s19 =	simm.s32 $0x6180;
	v59 =	vperm.xlane v17, v8;
	v58 =	vadd.s32 v3, v57  }
0x122: {  	[tilespmem:s19], [sflag:$0x1] =	stream.indirect_vreg.gather [hbm4b:s4+s2], $0x80, v18, vm0, $0xb8;
	[tilespmem:$0xB000] =	vst v63  }
0x123: {  	s20 =	simm.s32 $0x6200;
	v60 =	vperm.xlane v17, v0;
	v18 =	vadd.s32 v3, v59  }
0x124: {  	[tilespmem:s20], [sflag:$0x1] =	stream.indirect_vreg.gather [hbm4b:s4+s2], $0x80, v19, vm0, $0xb8;
	[tilespmem:$0xB000] =	vst v63  }
0x125: {  	s22 =	simm.s32 $0x6280;
	v61 =	vperm.xlane v17, v9;
	v19 =	vadd.s32 v3, v60  }
0x126: {  	[tilespmem:s22], [sflag:$0x1] =	stream.indirect_vreg.gather [hbm4b:s4+s2], $0x80, v58, vm0, $0xb8;
	[tilespmem:$0xB000] =	vst v63  }
0x127: {  	s23 =	simm.s32 $0x6300;
	v63 =	vperm.xlane v17, v10;
	v62 =	vadd.s32 v3, v61  }
0x128: {  	[tilespmem:s23], [sflag:$0x1] =	stream.indirect_vreg.gather [hbm4b:s4+s2], $0x80, v18, vm0, $0xb8;
	[tilespmem:$0xB000] =	vst v63  }
0x129: {  	v24 =	vperm.xlane v17, v11;
	s24 =	simm.s32 $0x6380;
	v18 =	vadd.s32 v3, v63  }
0x12a: {  	[tilespmem:s24], [sflag:$0x1] =	stream.indirect_vreg.gather [hbm4b:s4+s2], $0x80, v19, vm0, $0xb8;
	[tilespmem:$0xB000] =	vst v63  }
0x12b: {  	v25 =	vperm.xlane v17, v12;
	s25 =	simm.s32 $0x6400;
	v19 =	vadd.s32 v3, v24  }
0x12c: {  	[tilespmem:s25], [sflag:$0x1] =	stream.indirect_vreg.gather [hbm4b:s4+s2], $0x80, v62, vm0, $0xb8;
	[tilespmem:$0xB000] =	vst v63  }
0x12d: {  	v27 =	vperm.xlane v17, v13;
	v26 =	vadd.s32 v3, v25;
	s26 =	simm.s32 $0x6480  }
0x12e: {  	[tilespmem:s26], [sflag:$0x1] =	stream.indirect_vreg.gather [hbm4b:s4+s2], $0x80, v18, vm0, $0xb8;
	[tilespmem:$0xB000] =	vst v63  }
0x12f: {  	v28 =	vperm.xlane v17, v14;
	s19 =	simm.s32 $0x6500;
	v18 =	vadd.s32 v3, v27  }
0x130: {  	[tilespmem:s19], [sflag:$0x1] =	stream.indirect_vreg.gather [hbm4b:s4+s2], $0x80, v19, vm0, $0xb8;
	[tilespmem:$0xB000] =	vst v63  }
0x131: {  	v29 =	vperm.xlane v17, v15;
	s20 =	simm.s32 $0x6580;
	v19 =	vadd.s32 v3, v28  }
0x132: {  	[tilespmem:s20], [sflag:$0x1] =	stream.indirect_vreg.gather [hbm4b:s4+s2], $0x80, v26, vm0, $0xb8;
	[tilespmem:$0xB000] =	vst v63  }
0x133: {  	v17 =	vperm.xlane v17, v16;
	v30 =	vadd.s32 v3, v29;
	s22 =	simm.s32 $0x6600  }
0x134: {  	[tilespmem:s22], [sflag:$0x1] =	stream.indirect_vreg.gather [hbm4b:s4+s2], $0x80, v18, vm0, $0xb8;
	[tilespmem:$0xB000] =	vst v63  }
0x135: {  	v17 =	vadd.s32 v3, v17;
	s23 =	simm.s32 $0x6680  }
0x136: {  	[tilespmem:s23], [sflag:$0x1] =	stream.indirect_vreg.gather [hbm4b:s4+s2], $0x80, v19, vm0, $0xb8;
	[tilespmem:$0xB000] =	vst v63  }
0x137: {  	s24 =	simm.s32 $0x6700  }
0x138: {  	[tilespmem:s24], [sflag:$0x1] =	stream.indirect_vreg.gather [hbm4b:s4+s2], $0x80, v30, vm0, $0xb8;
	[tilespmem:$0xB000] =	vst v63  }
0x139: {  	s25 =	simm.s32 $0x6780  }
0x13a: {  	[tilespmem:s25], [sflag:$0x1] =	stream.indirect_vreg.gather [hbm4b:s4+s2], $0x80, v17, vm0, $0xb8;
	[tilespmem:$0xB000] =	vst v63  }
0x13b: {  	v17 =	vld [tilespmem:$0x70];
	_ =	sdelay $0x4  }
0x13c: {  	v18 =	vshll.u32 v17, $0x3  }
0x13d: {  	v17 =	vand.u32 $0x7, v17;
	v18 =	vand.u32 $0xFFFFFFC0, v18  }
0x13e: {  	v17 =	vor.u32 v17, v18  }
0x13f: {  	v18 =	vperm.xlane v17, v2;
	_ =	sdelay $0x1  }
0x140: {  	v19 =	vperm.xlane v17, v4;
	v18 =	vadd.s32 v3, v18;
	_ =	sdelay $0x1  }
0x141: {  	v31 =	vperm.xlane v17, v5;
	v19 =	vadd.s32 v3, v19;
	_ =	sdelay $0x1  }
0x142: {  	s26 =	simm.s32 $0x6800;
	v32 =	vperm.xlane v17, v1;
	v20 =	vadd.s32 v3, v31  }
0x143: {  	[tilespmem:s26], [sflag:$0x1] =	stream.indirect_vreg.gather [hbm4b:s4+s2], $0x80, v18, vm0, $0xb8;
	[tilespmem:$0xB000] =	vst v63  }
0x144: {  	s19 =	simm.s32 $0x6880;
	v33 =	vperm.xlane v17, v6;
	v18 =	vadd.s32 v3, v32  }
0x145: {  	[tilespmem:s19], [sflag:$0x1] =	stream.indirect_vreg.gather [hbm4b:s4+s2], $0x80, v19, vm0, $0xb8;
	[tilespmem:$0xB000] =	vst v63  }
0x146: {  	s20 =	simm.s32 $0x6900;
	v34 =	vperm.xlane v17, v7;
	v19 =	vadd.s32 v3, v33  }
0x147: {  	[tilespmem:s20], [sflag:$0x1] =	stream.indirect_vreg.gather [hbm4b:s4+s2], $0x80, v20, vm0, $0xb8;
	[tilespmem:$0xB000] =	vst v63  }
0x148: {  	s22 =	simm.s32 $0x6980;
	v36 =	vperm.xlane v17, v8;
	v35 =	vadd.s32 v3, v34  }
0x149: {  	[tilespmem:s22], [sflag:$0x1] =	stream.indirect_vreg.gather [hbm4b:s4+s2], $0x80, v18, vm0, $0xb8;
	[tilespmem:$0xB000] =	vst v63  }
0x14a: {  	s23 =	simm.s32 $0x6A00;
	v37 =	vperm.xlane v17, v0;
	v18 =	vadd.s32 v3, v36  }
0x14b: {  	[tilespmem:s23], [sflag:$0x1] =	stream.indirect_vreg.gather [hbm4b:s4+s2], $0x80, v19, vm0, $0xb8;
	[tilespmem:$0xB000] =	vst v63  }
0x14c: {  	s24 =	simm.s32 $0x6A80;
	v38 =	vperm.xlane v17, v9;
	v19 =	vadd.s32 v3, v37  }
0x14d: {  	[tilespmem:s24], [sflag:$0x1] =	stream.indirect_vreg.gather [hbm4b:s4+s2], $0x80, v35, vm0, $0xb8;
	[tilespmem:$0xB000] =	vst v63  }
0x14e: {  	s25 =	simm.s32 $0x6B00;
	v40 =	vperm.xlane v17, v10;
	v39 =	vadd.s32 v3, v38  }
0x14f: {  	[tilespmem:s25], [sflag:$0x1] =	stream.indirect_vreg.gather [hbm4b:s4+s2], $0x80, v18, vm0, $0xb8;
	[tilespmem:$0xB000] =	vst v63  }
0x150: {  	v41 =	vperm.xlane v17, v11;
	s26 =	simm.s32 $0x6B80;
	v18 =	vadd.s32 v3, v40  }
0x151: {  	[tilespmem:s26], [sflag:$0x1] =	stream.indirect_vreg.gather [hbm4b:s4+s2], $0x80, v19, vm0, $0xb8;
	[tilespmem:$0xB000] =	vst v63  }
0x152: {  	v42 =	vperm.xlane v17, v12;
	s19 =	simm.s32 $0x6C00;
	v19 =	vadd.s32 v3, v41  }
0x153: {  	[tilespmem:s19], [sflag:$0x1] =	stream.indirect_vreg.gather [hbm4b:s4+s2], $0x80, v39, vm0, $0xb8;
	[tilespmem:$0xB000] =	vst v63  }
0x154: {  	v44 =	vperm.xlane v17, v13;
	v43 =	vadd.s32 v3, v42;
	s20 =	simm.s32 $0x6C80  }
0x155: {  	[tilespmem:s20], [sflag:$0x1] =	stream.indirect_vreg.gather [hbm4b:s4+s2], $0x80, v18, vm0, $0xb8;
	[tilespmem:$0xB000] =	vst v63  }
0x156: {  	v45 =	vperm.xlane v17, v14;
	s22 =	simm.s32 $0x6D00;
	v18 =	vadd.s32 v3, v44  }
0x157: {  	[tilespmem:s22], [sflag:$0x1] =	stream.indirect_vreg.gather [hbm4b:s4+s2], $0x80, v19, vm0, $0xb8;
	[tilespmem:$0xB000] =	vst v63  }
0x158: {  	v46 =	vperm.xlane v17, v15;
	s23 =	simm.s32 $0x6D80;
	v19 =	vadd.s32 v3, v45  }
0x159: {  	[tilespmem:s23], [sflag:$0x1] =	stream.indirect_vreg.gather [hbm4b:s4+s2], $0x80, v43, vm0, $0xb8;
	[tilespmem:$0xB000] =	vst v63  }
0x15a: {  	v17 =	vperm.xlane v17, v16;
	v47 =	vadd.s32 v3, v46;
	s24 =	simm.s32 $0x6E00  }
0x15b: {  	[tilespmem:s24], [sflag:$0x1] =	stream.indirect_vreg.gather [hbm4b:s4+s2], $0x80, v18, vm0, $0xb8;
	[tilespmem:$0xB000] =	vst v63  }
0x15c: {  	v17 =	vadd.s32 v3, v17;
	s25 =	simm.s32 $0x6E80  }
0x15d: {  	[tilespmem:s25], [sflag:$0x1] =	stream.indirect_vreg.gather [hbm4b:s4+s2], $0x80, v19, vm0, $0xb8;
	[tilespmem:$0xB000] =	vst v63  }
0x15e: {  	s26 =	simm.s32 $0x6F00  }
0x15f: {  	[tilespmem:s26], [sflag:$0x1] =	stream.indirect_vreg.gather [hbm4b:s4+s2], $0x80, v47, vm0, $0xb8;
	[tilespmem:$0xB000] =	vst v63  }
0x160: {  	s19 =	simm.s32 $0x6F80  }
0x161: {  	[tilespmem:s19], [sflag:$0x1] =	stream.indirect_vreg.gather [hbm4b:s4+s2], $0x80, v17, vm0, $0xb8;
	[tilespmem:$0xB000] =	vst v63  }
0x162: {  	v17 =	vld [tilespmem:$0x80];
	_ =	sdelay $0x4  }
0x163: {  	v18 =	vshll.u32 v17, $0x3  }
0x164: {  	v17 =	vand.u32 $0x7, v17;
	v18 =	vand.u32 $0xFFFFFFC0, v18  }
0x165: {  	v17 =	vor.u32 v17, v18  }
0x166: {  	v18 =	vperm.xlane v17, v2;
	_ =	sdelay $0x1  }
0x167: {  	v19 =	vperm.xlane v17, v4;
	v18 =	vadd.s32 v3, v18;
	_ =	sdelay $0x1  }
0x168: {  	v48 =	vperm.xlane v17, v5;
	v19 =	vadd.s32 v3, v19;
	_ =	sdelay $0x1  }
0x169: {  	s20 =	simm.s32 $0x7000;
	v49 =	vperm.xlane v17, v1;
	v20 =	vadd.s32 v3, v48  }
0x16a: {  	[tilespmem:s20], [sflag:$0x2] =	stream.indirect_vreg.gather [hbm4b:s4+s2], $0x80, v18, vm0, $0xb8;
	[tilespmem:$0xB000] =	vst v63  }
0x16b: {  	s22 =	simm.s32 $0x7080;
	v50 =	vperm.xlane v17, v6;
	v18 =	vadd.s32 v3, v49  }
0x16c: {  	[tilespmem:s22], [sflag:$0x2] =	stream.indirect_vreg.gather [hbm4b:s4+s2], $0x80, v19, vm0, $0xb8;
	[tilespmem:$0xB000] =	vst v63  }
0x16d: {  	s23 =	simm.s32 $0x7100;
	v51 =	vperm.xlane v17, v7;
	v19 =	vadd.s32 v3, v50  }
0x16e: {  	[tilespmem:s23], [sflag:$0x2] =	stream.indirect_vreg.gather [hbm4b:s4+s2], $0x80, v20, vm0, $0xb8;
	[tilespmem:$0xB000] =	vst v63  }
0x16f: {  	s24 =	simm.s32 $0x7180;
	v53 =	vperm.xlane v17, v8;
	v52 =	vadd.s32 v3, v51  }
0x170: {  	[tilespmem:s24], [sflag:$0x2] =	stream.indirect_vreg.gather [hbm4b:s4+s2], $0x80, v18, vm0, $0xb8;
	[tilespmem:$0xB000] =	vst v63  }
0x171: {  	s25 =	simm.s32 $0x7200;
	v54 =	vperm.xlane v17, v0;
	v18 =	vadd.s32 v3, v53  }
0x172: {  	[tilespmem:s25], [sflag:$0x2] =	stream.indirect_vreg.gather [hbm4b:s4+s2], $0x80, v19, vm0, $0xb8;
	[tilespmem:$0xB000] =	vst v63  }
0x173: {  	s26 =	simm.s32 $0x7280;
	v55 =	vperm.xlane v17, v9;
	v19 =	vadd.s32 v3, v54  }
0x174: {  	[tilespmem:s26], [sflag:$0x2] =	stream.indirect_vreg.gather [hbm4b:s4+s2], $0x80, v52, vm0, $0xb8;
	[tilespmem:$0xB000] =	vst v63  }
0x175: {  	s19 =	simm.s32 $0x7300;
	v57 =	vperm.xlane v17, v10;
	v56 =	vadd.s32 v3, v55  }
0x176: {  	[tilespmem:s19], [sflag:$0x2] =	stream.indirect_vreg.gather [hbm4b:s4+s2], $0x80, v18, vm0, $0xb8;
	[tilespmem:$0xB000] =	vst v63  }
0x177: {  	v58 =	vperm.xlane v17, v11;
	s20 =	simm.s32 $0x7380;
	v18 =	vadd.s32 v3, v57  }
0x178: {  	[tilespmem:s20], [sflag:$0x2] =	stream.indirect_vreg.gather [hbm4b:s4+s2], $0x80, v19, vm0, $0xb8;
	[tilespmem:$0xB000] =	vst v63  }
0x179: {  	v59 =	vperm.xlane v17, v12;
	s22 =	simm.s32 $0x7400;
	v19 =	vadd.s32 v3, v58  }
0x17a: {  	[tilespmem:s22], [sflag:$0x2] =	stream.indirect_vreg.gather [hbm4b:s4+s2], $0x80, v56, vm0, $0xb8;
	[tilespmem:$0xB000] =	vst v63  }
0x17b: {  	v61 =	vperm.xlane v17, v13;
	v60 =	vadd.s32 v3, v59;
	s23 =	simm.s32 $0x7480  }
0x17c: {  	[tilespmem:s23], [sflag:$0x2] =	stream.indirect_vreg.gather [hbm4b:s4+s2], $0x80, v18, vm0, $0xb8;
	[tilespmem:$0xB000] =	vst v63  }
0x17d: {  	v62 =	vperm.xlane v17, v14;
	s24 =	simm.s32 $0x7500;
	v18 =	vadd.s32 v3, v61  }
0x17e: {  	[tilespmem:s24], [sflag:$0x2] =	stream.indirect_vreg.gather [hbm4b:s4+s2], $0x80, v19, vm0, $0xb8;
	[tilespmem:$0xB000] =	vst v63  }
0x17f: {  	v63 =	vperm.xlane v17, v15;
	s25 =	simm.s32 $0x7580;
	v19 =	vadd.s32 v3, v62  }
0x180: {  	[tilespmem:s25], [sflag:$0x2] =	stream.indirect_vreg.gather [hbm4b:s4+s2], $0x80, v60, vm0, $0xb8;
	[tilespmem:$0xB000] =	vst v63  }
0x181: {  	v17 =	vperm.xlane v17, v16;
	v24 =	vadd.s32 v3, v63;
	s26 =	simm.s32 $0x7600  }
0x182: {  	[tilespmem:s26], [sflag:$0x2] =	stream.indirect_vreg.gather [hbm4b:s4+s2], $0x80, v18, vm0, $0xb8;
	[tilespmem:$0xB000] =	vst v63  }
0x183: {  	v17 =	vadd.s32 v3, v17;
	s19 =	simm.s32 $0x7680  }
0x184: {  	[tilespmem:s19], [sflag:$0x2] =	stream.indirect_vreg.gather [hbm4b:s4+s2], $0x80, v19, vm0, $0xb8;
	[tilespmem:$0xB000] =	vst v63  }
0x185: {  	s20 =	simm.s32 $0x7700  }
0x186: {  	[tilespmem:s20], [sflag:$0x2] =	stream.indirect_vreg.gather [hbm4b:s4+s2], $0x80, v24, vm0, $0xb8;
	[tilespmem:$0xB000] =	vst v63  }
0x187: {  	s22 =	simm.s32 $0x7780  }
0x188: {  	[tilespmem:s22], [sflag:$0x2] =	stream.indirect_vreg.gather [hbm4b:s4+s2], $0x80, v17, vm0, $0xb8;
	[tilespmem:$0xB000] =	vst v63  }
0x189: {  	v17 =	vld [tilespmem:$0x90];
	_ =	sdelay $0x4  }
0x18a: {  	v18 =	vshll.u32 v17, $0x3  }
0x18b: {  	v17 =	vand.u32 $0x7, v17;
	v18 =	vand.u32 $0xFFFFFFC0, v18  }
0x18c: {  	v17 =	vor.u32 v17, v18  }
0x18d: {  	v18 =	vperm.xlane v17, v2;
	_ =	sdelay $0x1  }
0x18e: {  	v19 =	vperm.xlane v17, v4;
	v18 =	vadd.s32 v3, v18;
	_ =	sdelay $0x1  }
0x18f: {  	v25 =	vperm.xlane v17, v5;
	v19 =	vadd.s32 v3, v19;
	_ =	sdelay $0x1  }
0x190: {  	s23 =	simm.s32 $0x7800;
	v26 =	vperm.xlane v17, v1;
	v20 =	vadd.s32 v3, v25  }
0x191: {  	[tilespmem:s23], [sflag:$0x2] =	stream.indirect_vreg.gather [hbm4b:s4+s2], $0x80, v18, vm0, $0xb8;
	[tilespmem:$0xB000] =	vst v63  }
0x192: {  	s24 =	simm.s32 $0x7880;
	v27 =	vperm.xlane v17, v6;
	v18 =	vadd.s32 v3, v26  }
0x193: {  	[tilespmem:s24], [sflag:$0x2] =	stream.indirect_vreg.gather [hbm4b:s4+s2], $0x80, v19, vm0, $0xb8;
	[tilespmem:$0xB000] =	vst v63  }
0x194: {  	s25 =	simm.s32 $0x7900;
	v28 =	vperm.xlane v17, v7;
	v19 =	vadd.s32 v3, v27  }
0x195: {  	[tilespmem:s25], [sflag:$0x2] =	stream.indirect_vreg.gather [hbm4b:s4+s2], $0x80, v20, vm0, $0xb8;
	[tilespmem:$0xB000] =	vst v63  }
0x196: {  	s26 =	simm.s32 $0x7980;
	v30 =	vperm.xlane v17, v8;
	v29 =	vadd.s32 v3, v28  }
0x197: {  	[tilespmem:s26], [sflag:$0x2] =	stream.indirect_vreg.gather [hbm4b:s4+s2], $0x80, v18, vm0, $0xb8;
	[tilespmem:$0xB000] =	vst v63  }
0x198: {  	s19 =	simm.s32 $0x7A00;
	v31 =	vperm.xlane v17, v0;
	v18 =	vadd.s32 v3, v30  }
0x199: {  	[tilespmem:s19], [sflag:$0x2] =	stream.indirect_vreg.gather [hbm4b:s4+s2], $0x80, v19, vm0, $0xb8;
	[tilespmem:$0xB000] =	vst v63  }
0x19a: {  	s20 =	simm.s32 $0x7A80;
	v32 =	vperm.xlane v17, v9;
	v19 =	vadd.s32 v3, v31  }
0x19b: {  	[tilespmem:s20], [sflag:$0x2] =	stream.indirect_vreg.gather [hbm4b:s4+s2], $0x80, v29, vm0, $0xb8;
	[tilespmem:$0xB000] =	vst v63  }
0x19c: {  	s22 =	simm.s32 $0x7B00;
	v34 =	vperm.xlane v17, v10;
	v33 =	vadd.s32 v3, v32  }
0x19d: {  	[tilespmem:s22], [sflag:$0x2] =	stream.indirect_vreg.gather [hbm4b:s4+s2], $0x80, v18, vm0, $0xb8;
	[tilespmem:$0xB000] =	vst v63  }
0x19e: {  	v35 =	vperm.xlane v17, v11;
	s23 =	simm.s32 $0x7B80;
	v18 =	vadd.s32 v3, v34  }
0x19f: {  	[tilespmem:s23], [sflag:$0x2] =	stream.indirect_vreg.gather [hbm4b:s4+s2], $0x80, v19, vm0, $0xb8;
	[tilespmem:$0xB000] =	vst v63  }
0x1a0: {  	v36 =	vperm.xlane v17, v12;
	s24 =	simm.s32 $0x7C00;
	v19 =	vadd.s32 v3, v35  }
0x1a1: {  	[tilespmem:s24], [sflag:$0x2] =	stream.indirect_vreg.gather [hbm4b:s4+s2], $0x80, v33, vm0, $0xb8;
	[tilespmem:$0xB000] =	vst v63  }
0x1a2: {  	v38 =	vperm.xlane v17, v13;
	v37 =	vadd.s32 v3, v36;
	s25 =	simm.s32 $0x7C80  }
0x1a3: {  	[tilespmem:s25], [sflag:$0x2] =	stream.indirect_vreg.gather [hbm4b:s4+s2], $0x80, v18, vm0, $0xb8;
	[tilespmem:$0xB000] =	vst v63  }
0x1a4: {  	v39 =	vperm.xlane v17, v14;
	s26 =	simm.s32 $0x7D00;
	v18 =	vadd.s32 v3, v38  }
0x1a5: {  	[tilespmem:s26], [sflag:$0x2] =	stream.indirect_vreg.gather [hbm4b:s4+s2], $0x80, v19, vm0, $0xb8;
	[tilespmem:$0xB000] =	vst v63  }
0x1a6: {  	v40 =	vperm.xlane v17, v15;
	s19 =	simm.s32 $0x7D80;
	v19 =	vadd.s32 v3, v39  }
0x1a7: {  	[tilespmem:s19], [sflag:$0x2] =	stream.indirect_vreg.gather [hbm4b:s4+s2], $0x80, v37, vm0, $0xb8;
	[tilespmem:$0xB000] =	vst v63  }
0x1a8: {  	v17 =	vperm.xlane v17, v16;
	v41 =	vadd.s32 v3, v40;
	s20 =	simm.s32 $0x7E00  }
0x1a9: {  	[tilespmem:s20], [sflag:$0x2] =	stream.indirect_vreg.gather [hbm4b:s4+s2], $0x80, v18, vm0, $0xb8;
	[tilespmem:$0xB000] =	vst v63  }
0x1aa: {  	v17 =	vadd.s32 v3, v17;
	s22 =	simm.s32 $0x7E80  }
0x1ab: {  	[tilespmem:s22], [sflag:$0x2] =	stream.indirect_vreg.gather [hbm4b:s4+s2], $0x80, v19, vm0, $0xb8;
	[tilespmem:$0xB000] =	vst v63  }
0x1ac: {  	s23 =	simm.s32 $0x7F00  }
0x1ad: {  	[tilespmem:s23], [sflag:$0x2] =	stream.indirect_vreg.gather [hbm4b:s4+s2], $0x80, v41, vm0, $0xb8;
	[tilespmem:$0xB000] =	vst v63  }
0x1ae: {  	s24 =	simm.s32 $0x7F80  }
0x1af: {  	[tilespmem:s24], [sflag:$0x2] =	stream.indirect_vreg.gather [hbm4b:s4+s2], $0x80, v17, vm0, $0xb8;
	[tilespmem:$0xB000] =	vst v63  }
0x1b0: {  	v17 =	vld [tilespmem:$0xA0];
	_ =	sdelay $0x4  }
0x1b1: {  	v18 =	vshll.u32 v17, $0x3  }
0x1b2: {  	v17 =	vand.u32 $0x7, v17;
	v18 =	vand.u32 $0xFFFFFFC0, v18  }
0x1b3: {  	v17 =	vor.u32 v17, v18  }
0x1b4: {  	v18 =	vperm.xlane v17, v2;
	_ =	sdelay $0x1  }
0x1b5: {  	v19 =	vperm.xlane v17, v4;
	v18 =	vadd.s32 v3, v18;
	_ =	sdelay $0x1  }
0x1b6: {  	v42 =	vperm.xlane v17, v5;
	v19 =	vadd.s32 v3, v19;
	_ =	sdelay $0x1  }
0x1b7: {  	s25 =	simm.s32 $0x8000;
	v43 =	vperm.xlane v17, v1;
	v20 =	vadd.s32 v3, v42  }
0x1b8: {  	[tilespmem:s25], [sflag:$0x2] =	stream.indirect_vreg.gather [hbm4b:s4+s2], $0x80, v18, vm0, $0xb8;
	[tilespmem:$0xB000] =	vst v63  }
0x1b9: {  	s26 =	simm.s32 $0x8080;
	v44 =	vperm.xlane v17, v6;
	v18 =	vadd.s32 v3, v43  }
0x1ba: {  	[tilespmem:s26], [sflag:$0x2] =	stream.indirect_vreg.gather [hbm4b:s4+s2], $0x80, v19, vm0, $0xb8;
	[tilespmem:$0xB000] =	vst v63  }
0x1bb: {  	s19 =	simm.s32 $0x8100;
	v45 =	vperm.xlane v17, v7;
	v19 =	vadd.s32 v3, v44  }
0x1bc: {  	[tilespmem:s19], [sflag:$0x2] =	stream.indirect_vreg.gather [hbm4b:s4+s2], $0x80, v20, vm0, $0xb8;
	[tilespmem:$0xB000] =	vst v63  }
0x1bd: {  	s20 =	simm.s32 $0x8180;
	v47 =	vperm.xlane v17, v8;
	v46 =	vadd.s32 v3, v45  }
0x1be: {  	[tilespmem:s20], [sflag:$0x2] =	stream.indirect_vreg.gather [hbm4b:s4+s2], $0x80, v18, vm0, $0xb8;
	[tilespmem:$0xB000] =	vst v63  }
0x1bf: {  	s22 =	simm.s32 $0x8200;
	v48 =	vperm.xlane v17, v0;
	v18 =	vadd.s32 v3, v47  }
0x1c0: {  	[tilespmem:s22], [sflag:$0x2] =	stream.indirect_vreg.gather [hbm4b:s4+s2], $0x80, v19, vm0, $0xb8;
	[tilespmem:$0xB000] =	vst v63  }
0x1c1: {  	s23 =	simm.s32 $0x8280;
	v49 =	vperm.xlane v17, v9;
	v19 =	vadd.s32 v3, v48  }
0x1c2: {  	[tilespmem:s23], [sflag:$0x2] =	stream.indirect_vreg.gather [hbm4b:s4+s2], $0x80, v46, vm0, $0xb8;
	[tilespmem:$0xB000] =	vst v63  }
0x1c3: {  	s24 =	simm.s32 $0x8300;
	v51 =	vperm.xlane v17, v10;
	v50 =	vadd.s32 v3, v49  }
0x1c4: {  	[tilespmem:s24], [sflag:$0x2] =	stream.indirect_vreg.gather [hbm4b:s4+s2], $0x80, v18, vm0, $0xb8;
	[tilespmem:$0xB000] =	vst v63  }
0x1c5: {  	v52 =	vperm.xlane v17, v11;
	s25 =	simm.s32 $0x8380;
	v18 =	vadd.s32 v3, v51  }
0x1c6: {  	[tilespmem:s25], [sflag:$0x2] =	stream.indirect_vreg.gather [hbm4b:s4+s2], $0x80, v19, vm0, $0xb8;
	[tilespmem:$0xB000] =	vst v63  }
0x1c7: {  	v53 =	vperm.xlane v17, v12;
	s26 =	simm.s32 $0x8400;
	v19 =	vadd.s32 v3, v52  }
0x1c8: {  	[tilespmem:s26], [sflag:$0x2] =	stream.indirect_vreg.gather [hbm4b:s4+s2], $0x80, v50, vm0, $0xb8;
	[tilespmem:$0xB000] =	vst v63  }
0x1c9: {  	v55 =	vperm.xlane v17, v13;
	v54 =	vadd.s32 v3, v53;
	s19 =	simm.s32 $0x8480  }
0x1ca: {  	[tilespmem:s19], [sflag:$0x2] =	stream.indirect_vreg.gather [hbm4b:s4+s2], $0x80, v18, vm0, $0xb8;
	[tilespmem:$0xB000] =	vst v63  }
0x1cb: {  	v56 =	vperm.xlane v17, v14;
	s20 =	simm.s32 $0x8500;
	v18 =	vadd.s32 v3, v55  }
0x1cc: {  	[tilespmem:s20], [sflag:$0x2] =	stream.indirect_vreg.gather [hbm4b:s4+s2], $0x80, v19, vm0, $0xb8;
	[tilespmem:$0xB000] =	vst v63  }
0x1cd: {  	v57 =	vperm.xlane v17, v15;
	s22 =	simm.s32 $0x8580;
	v19 =	vadd.s32 v3, v56  }
0x1ce: {  	[tilespmem:s22], [sflag:$0x2] =	stream.indirect_vreg.gather [hbm4b:s4+s2], $0x80, v54, vm0, $0xb8;
	[tilespmem:$0xB000] =	vst v63  }
0x1cf: {  	v17 =	vperm.xlane v17, v16;
	v58 =	vadd.s32 v3, v57;
	s23 =	simm.s32 $0x8600  }
0x1d0: {  	[tilespmem:s23], [sflag:$0x2] =	stream.indirect_vreg.gather [hbm4b:s4+s2], $0x80, v18, vm0, $0xb8;
	[tilespmem:$0xB000] =	vst v63  }
0x1d1: {  	v17 =	vadd.s32 v3, v17;
	s24 =	simm.s32 $0x8680  }
0x1d2: {  	[tilespmem:s24], [sflag:$0x2] =	stream.indirect_vreg.gather [hbm4b:s4+s2], $0x80, v19, vm0, $0xb8;
	[tilespmem:$0xB000] =	vst v63  }
0x1d3: {  	s25 =	simm.s32 $0x8700  }
0x1d4: {  	[tilespmem:s25], [sflag:$0x2] =	stream.indirect_vreg.gather [hbm4b:s4+s2], $0x80, v58, vm0, $0xb8;
	[tilespmem:$0xB000] =	vst v63  }
0x1d5: {  	s26 =	simm.s32 $0x8780  }
0x1d6: {  	[tilespmem:s26], [sflag:$0x2] =	stream.indirect_vreg.gather [hbm4b:s4+s2], $0x80, v17, vm0, $0xb8;
	[tilespmem:$0xB000] =	vst v63  }
0x1d7: {  	v17 =	vld [tilespmem:$0xB0];
	_ =	sdelay $0x4  }
0x1d8: {  	v18 =	vshll.u32 v17, $0x3  }
0x1d9: {  	v17 =	vand.u32 $0x7, v17;
	v18 =	vand.u32 $0xFFFFFFC0, v18  }
0x1da: {  	v17 =	vor.u32 v17, v18  }
0x1db: {  	v18 =	vperm.xlane v17, v2;
	_ =	sdelay $0x1  }
0x1dc: {  	v19 =	vperm.xlane v17, v4;
	v18 =	vadd.s32 v3, v18;
	_ =	sdelay $0x1  }
0x1dd: {  	v59 =	vperm.xlane v17, v5;
	v19 =	vadd.s32 v3, v19;
	_ =	sdelay $0x1  }
0x1de: {  	s19 =	simm.s32 $0x8800;
	v60 =	vperm.xlane v17, v1;
	v20 =	vadd.s32 v3, v59  }
0x1df: {  	[tilespmem:s19], [sflag:$0x2] =	stream.indirect_vreg.gather [hbm4b:s4+s2], $0x80, v18, vm0, $0xb8;
	[tilespmem:$0xB000] =	vst v63  }
0x1e0: {  	s20 =	simm.s32 $0x8880;
	v61 =	vperm.xlane v17, v6;
	v18 =	vadd.s32 v3, v60  }
0x1e1: {  	[tilespmem:s20], [sflag:$0x2] =	stream.indirect_vreg.gather [hbm4b:s4+s2], $0x80, v19, vm0, $0xb8;
	[tilespmem:$0xB000] =	vst v63  }
0x1e2: {  	s22 =	simm.s32 $0x8900;
	v62 =	vperm.xlane v17, v7;
	v19 =	vadd.s32 v3, v61  }
0x1e3: {  	[tilespmem:s22], [sflag:$0x2] =	stream.indirect_vreg.gather [hbm4b:s4+s2], $0x80, v20, vm0, $0xb8;
	[tilespmem:$0xB000] =	vst v63  }
0x1e4: {  	s23 =	simm.s32 $0x8980;
	v24 =	vperm.xlane v17, v8;
	v63 =	vadd.s32 v3, v62  }
0x1e5: {  	[tilespmem:s23], [sflag:$0x2] =	stream.indirect_vreg.gather [hbm4b:s4+s2], $0x80, v18, vm0, $0xb8;
	[tilespmem:$0xB000] =	vst v63  }
0x1e6: {  	s24 =	simm.s32 $0x8A00;
	v25 =	vperm.xlane v17, v0;
	v18 =	vadd.s32 v3, v24  }
0x1e7: {  	[tilespmem:s24], [sflag:$0x2] =	stream.indirect_vreg.gather [hbm4b:s4+s2], $0x80, v19, vm0, $0xb8;
	[tilespmem:$0xB000] =	vst v63  }
0x1e8: {  	s25 =	simm.s32 $0x8A80;
	v26 =	vperm.xlane v17, v9;
	v19 =	vadd.s32 v3, v25  }
0x1e9: {  	[tilespmem:s25], [sflag:$0x2] =	stream.indirect_vreg.gather [hbm4b:s4+s2], $0x80, v63, vm0, $0xb8;
	[tilespmem:$0xB000] =	vst v63  }
0x1ea: {  	s26 =	simm.s32 $0x8B00;
	v28 =	vperm.xlane v17, v10;
	v27 =	vadd.s32 v3, v26  }
0x1eb: {  	[tilespmem:s26], [sflag:$0x2] =	stream.indirect_vreg.gather [hbm4b:s4+s2], $0x80, v18, vm0, $0xb8;
	[tilespmem:$0xB000] =	vst v63  }
0x1ec: {  	v29 =	vperm.xlane v17, v11;
	s19 =	simm.s32 $0x8B80;
	v18 =	vadd.s32 v3, v28  }
0x1ed: {  	[tilespmem:s19], [sflag:$0x2] =	stream.indirect_vreg.gather [hbm4b:s4+s2], $0x80, v19, vm0, $0xb8;
	[tilespmem:$0xB000] =	vst v63  }
0x1ee: {  	v30 =	vperm.xlane v17, v12;
	s20 =	simm.s32 $0x8C00;
	v19 =	vadd.s32 v3, v29  }
0x1ef: {  	[tilespmem:s20], [sflag:$0x2] =	stream.indirect_vreg.gather [hbm4b:s4+s2], $0x80, v27, vm0, $0xb8;
	[tilespmem:$0xB000] =	vst v63  }
0x1f0: {  	v32 =	vperm.xlane v17, v13;
	v31 =	vadd.s32 v3, v30;
	s22 =	simm.s32 $0x8C80  }
0x1f1: {  	[tilespmem:s22], [sflag:$0x2] =	stream.indirect_vreg.gather [hbm4b:s4+s2], $0x80, v18, vm0, $0xb8;
	[tilespmem:$0xB000] =	vst v63  }
0x1f2: {  	v33 =	vperm.xlane v17, v14;
	s23 =	simm.s32 $0x8D00;
	v18 =	vadd.s32 v3, v32  }
0x1f3: {  	[tilespmem:s23], [sflag:$0x2] =	stream.indirect_vreg.gather [hbm4b:s4+s2], $0x80, v19, vm0, $0xb8;
	[tilespmem:$0xB000] =	vst v63  }
0x1f4: {  	v34 =	vperm.xlane v17, v15;
	s24 =	simm.s32 $0x8D80;
	v19 =	vadd.s32 v3, v33  }
0x1f5: {  	[tilespmem:s24], [sflag:$0x2] =	stream.indirect_vreg.gather [hbm4b:s4+s2], $0x80, v31, vm0, $0xb8;
	[tilespmem:$0xB000] =	vst v63  }
0x1f6: {  	v17 =	vperm.xlane v17, v16;
	v35 =	vadd.s32 v3, v34;
	s25 =	simm.s32 $0x8E00  }
0x1f7: {  	[tilespmem:s25], [sflag:$0x2] =	stream.indirect_vreg.gather [hbm4b:s4+s2], $0x80, v18, vm0, $0xb8;
	[tilespmem:$0xB000] =	vst v63  }
0x1f8: {  	v17 =	vadd.s32 v3, v17;
	s26 =	simm.s32 $0x8E80  }
0x1f9: {  	[tilespmem:s26], [sflag:$0x2] =	stream.indirect_vreg.gather [hbm4b:s4+s2], $0x80, v19, vm0, $0xb8;
	[tilespmem:$0xB000] =	vst v63  }
0x1fa: {  	s19 =	simm.s32 $0x8F00  }
0x1fb: {  	[tilespmem:s19], [sflag:$0x2] =	stream.indirect_vreg.gather [hbm4b:s4+s2], $0x80, v35, vm0, $0xb8;
	[tilespmem:$0xB000] =	vst v63  }
0x1fc: {  	s20 =	simm.s32 $0x8F80  }
0x1fd: {  	[tilespmem:s20], [sflag:$0x2] =	stream.indirect_vreg.gather [hbm4b:s4+s2], $0x80, v17, vm0, $0xb8;
	[tilespmem:$0xB000] =	vst v63  }
0x1fe: {  	v17 =	vld [tilespmem:$0xC0];
	_ =	sdelay $0x4  }
0x1ff: {  	v18 =	vshll.u32 v17, $0x3  }
0x200: {  	v17 =	vand.u32 $0x7, v17;
	v18 =	vand.u32 $0xFFFFFFC0, v18  }
0x201: {  	v17 =	vor.u32 v17, v18  }
0x202: {  	v18 =	vperm.xlane v17, v2;
	_ =	sdelay $0x1  }
0x203: {  	v19 =	vperm.xlane v17, v4;
	v18 =	vadd.s32 v3, v18;
	_ =	sdelay $0x1  }
0x204: {  	v36 =	vperm.xlane v17, v5;
	v19 =	vadd.s32 v3, v19;
	_ =	sdelay $0x1  }
0x205: {  	s22 =	simm.s32 $0x9000;
	v37 =	vperm.xlane v17, v1;
	v20 =	vadd.s32 v3, v36  }
0x206: {  	[tilespmem:s22], [sflag:$0x2] =	stream.indirect_vreg.gather [hbm4b:s4+s2], $0x80, v18, vm0, $0xb8;
	[tilespmem:$0xB000] =	vst v63  }
0x207: {  	s23 =	simm.s32 $0x9080;
	v38 =	vperm.xlane v17, v6;
	v18 =	vadd.s32 v3, v37  }
0x208: {  	[tilespmem:s23], [sflag:$0x2] =	stream.indirect_vreg.gather [hbm4b:s4+s2], $0x80, v19, vm0, $0xb8;
	[tilespmem:$0xB000] =	vst v63  }
0x209: {  	s24 =	simm.s32 $0x9100;
	v39 =	vperm.xlane v17, v7;
	v19 =	vadd.s32 v3, v38  }
0x20a: {  	[tilespmem:s24], [sflag:$0x2] =	stream.indirect_vreg.gather [hbm4b:s4+s2], $0x80, v20, vm0, $0xb8;
	[tilespmem:$0xB000] =	vst v63  }
0x20b: {  	s25 =	simm.s32 $0x9180;
	v41 =	vperm.xlane v17, v8;
	v40 =	vadd.s32 v3, v39  }
0x20c: {  	[tilespmem:s25], [sflag:$0x2] =	stream.indirect_vreg.gather [hbm4b:s4+s2], $0x80, v18, vm0, $0xb8;
	[tilespmem:$0xB000] =	vst v63  }
0x20d: {  	s26 =	simm.s32 $0x9200;
	v42 =	vperm.xlane v17, v0;
	v18 =	vadd.s32 v3, v41  }
0x20e: {  	[tilespmem:s26], [sflag:$0x2] =	stream.indirect_vreg.gather [hbm4b:s4+s2], $0x80, v19, vm0, $0xb8;
	[tilespmem:$0xB000] =	vst v63  }
0x20f: {  	s19 =	simm.s32 $0x9280;
	v43 =	vperm.xlane v17, v9;
	v19 =	vadd.s32 v3, v42  }
0x210: {  	[tilespmem:s19], [sflag:$0x2] =	stream.indirect_vreg.gather [hbm4b:s4+s2], $0x80, v40, vm0, $0xb8;
	[tilespmem:$0xB000] =	vst v63  }
0x211: {  	s20 =	simm.s32 $0x9300;
	v45 =	vperm.xlane v17, v10;
	v44 =	vadd.s32 v3, v43  }
0x212: {  	[tilespmem:s20], [sflag:$0x2] =	stream.indirect_vreg.gather [hbm4b:s4+s2], $0x80, v18, vm0, $0xb8;
	[tilespmem:$0xB000] =	vst v63  }
0x213: {  	v46 =	vperm.xlane v17, v11;
	s22 =	simm.s32 $0x9380;
	v18 =	vadd.s32 v3, v45  }
0x214: {  	[tilespmem:s22], [sflag:$0x2] =	stream.indirect_vreg.gather [hbm4b:s4+s2], $0x80, v19, vm0, $0xb8;
	[tilespmem:$0xB000] =	vst v63  }
0x215: {  	v47 =	vperm.xlane v17, v12;
	s23 =	simm.s32 $0x9400;
	v19 =	vadd.s32 v3, v46  }
0x216: {  	[tilespmem:s23], [sflag:$0x2] =	stream.indirect_vreg.gather [hbm4b:s4+s2], $0x80, v44, vm0, $0xb8;
	[tilespmem:$0xB000] =	vst v63  }
0x217: {  	v49 =	vperm.xlane v17, v13;
	v48 =	vadd.s32 v3, v47;
	s24 =	simm.s32 $0x9480  }
0x218: {  	[tilespmem:s24], [sflag:$0x2] =	stream.indirect_vreg.gather [hbm4b:s4+s2], $0x80, v18, vm0, $0xb8;
	[tilespmem:$0xB000] =	vst v63  }
0x219: {  	v50 =	vperm.xlane v17, v14;
	s25 =	simm.s32 $0x9500;
	v18 =	vadd.s32 v3, v49  }
0x21a: {  	[tilespmem:s25], [sflag:$0x2] =	stream.indirect_vreg.gather [hbm4b:s4+s2], $0x80, v19, vm0, $0xb8;
	[tilespmem:$0xB000] =	vst v63  }
0x21b: {  	v51 =	vperm.xlane v17, v15;
	s26 =	simm.s32 $0x9580;
	v19 =	vadd.s32 v3, v50  }
0x21c: {  	[tilespmem:s26], [sflag:$0x2] =	stream.indirect_vreg.gather [hbm4b:s4+s2], $0x80, v48, vm0, $0xb8;
	[tilespmem:$0xB000] =	vst v63  }
0x21d: {  	v17 =	vperm.xlane v17, v16;
	v52 =	vadd.s32 v3, v51;
	s19 =	simm.s32 $0x9600  }
0x21e: {  	[tilespmem:s19], [sflag:$0x2] =	stream.indirect_vreg.gather [hbm4b:s4+s2], $0x80, v18, vm0, $0xb8;
	[tilespmem:$0xB000] =	vst v63  }
0x21f: {  	v17 =	vadd.s32 v3, v17;
	s20 =	simm.s32 $0x9680  }
0x220: {  	[tilespmem:s20], [sflag:$0x2] =	stream.indirect_vreg.gather [hbm4b:s4+s2], $0x80, v19, vm0, $0xb8;
	[tilespmem:$0xB000] =	vst v63  }
0x221: {  	s22 =	simm.s32 $0x9700  }
0x222: {  	[tilespmem:s22], [sflag:$0x2] =	stream.indirect_vreg.gather [hbm4b:s4+s2], $0x80, v52, vm0, $0xb8;
	[tilespmem:$0xB000] =	vst v63  }
0x223: {  	s23 =	simm.s32 $0x9780  }
0x224: {  	[tilespmem:s23], [sflag:$0x2] =	stream.indirect_vreg.gather [hbm4b:s4+s2], $0x80, v17, vm0, $0xb8;
	[tilespmem:$0xB000] =	vst v63  }
0x225: {  	v17 =	vld [tilespmem:$0xD0];
	_ =	sdelay $0x4  }
0x226: {  	v18 =	vshll.u32 v17, $0x3  }
0x227: {  	v17 =	vand.u32 $0x7, v17;
	v18 =	vand.u32 $0xFFFFFFC0, v18  }
0x228: {  	v17 =	vor.u32 v17, v18  }
0x229: {  	v18 =	vperm.xlane v17, v2;
	_ =	sdelay $0x1  }
0x22a: {  	v19 =	vperm.xlane v17, v4;
	v18 =	vadd.s32 v3, v18;
	_ =	sdelay $0x1  }
0x22b: {  	v53 =	vperm.xlane v17, v5;
	v19 =	vadd.s32 v3, v19;
	_ =	sdelay $0x1  }
0x22c: {  	s24 =	simm.s32 $0x9800;
	v54 =	vperm.xlane v17, v1;
	v20 =	vadd.s32 v3, v53  }
0x22d: {  	[tilespmem:s24], [sflag:$0x2] =	stream.indirect_vreg.gather [hbm4b:s4+s2], $0x80, v18, vm0, $0xb8;
	[tilespmem:$0xB000] =	vst v63  }
0x22e: {  	s25 =	simm.s32 $0x9880;
	v55 =	vperm.xlane v17, v6;
	v18 =	vadd.s32 v3, v54  }
0x22f: {  	[tilespmem:s25], [sflag:$0x2] =	stream.indirect_vreg.gather [hbm4b:s4+s2], $0x80, v19, vm0, $0xb8;
	[tilespmem:$0xB000] =	vst v63  }
0x230: {  	s26 =	simm.s32 $0x9900;
	v56 =	vperm.xlane v17, v7;
	v19 =	vadd.s32 v3, v55  }
0x231: {  	[tilespmem:s26], [sflag:$0x2] =	stream.indirect_vreg.gather [hbm4b:s4+s2], $0x80, v20, vm0, $0xb8;
	[tilespmem:$0xB000] =	vst v63  }
0x232: {  	s19 =	simm.s32 $0x9980;
	v58 =	vperm.xlane v17, v8;
	v57 =	vadd.s32 v3, v56  }
0x233: {  	[tilespmem:s19], [sflag:$0x2] =	stream.indirect_vreg.gather [hbm4b:s4+s2], $0x80, v18, vm0, $0xb8;
	[tilespmem:$0xB000] =	vst v63  }
0x234: {  	s20 =	simm.s32 $0x9A00;
	v59 =	vperm.xlane v17, v0;
	v18 =	vadd.s32 v3, v58  }
0x235: {  	[tilespmem:s20], [sflag:$0x2] =	stream.indirect_vreg.gather [hbm4b:s4+s2], $0x80, v19, vm0, $0xb8;
	[tilespmem:$0xB000] =	vst v63  }
0x236: {  	s22 =	simm.s32 $0x9A80;
	v60 =	vperm.xlane v17, v9;
	v19 =	vadd.s32 v3, v59  }
0x237: {  	[tilespmem:s22], [sflag:$0x2] =	stream.indirect_vreg.gather [hbm4b:s4+s2], $0x80, v57, vm0, $0xb8;
	[tilespmem:$0xB000] =	vst v63  }
0x238: {  	s23 =	simm.s32 $0x9B00;
	v62 =	vperm.xlane v17, v10;
	v61 =	vadd.s32 v3, v60  }
0x239: {  	[tilespmem:s23], [sflag:$0x2] =	stream.indirect_vreg.gather [hbm4b:s4+s2], $0x80, v18, vm0, $0xb8;
	[tilespmem:$0xB000] =	vst v63  }
0x23a: {  	v63 =	vperm.xlane v17, v11;
	s24 =	simm.s32 $0x9B80;
	v18 =	vadd.s32 v3, v62  }
0x23b: {  	[tilespmem:s24], [sflag:$0x2] =	stream.indirect_vreg.gather [hbm4b:s4+s2], $0x80, v19, vm0, $0xb8;
	[tilespmem:$0xB000] =	vst v63  }
0x23c: {  	v24 =	vperm.xlane v17, v12;
	s25 =	simm.s32 $0x9C00;
	v19 =	vadd.s32 v3, v63  }
0x23d: {  	[tilespmem:s25], [sflag:$0x2] =	stream.indirect_vreg.gather [hbm4b:s4+s2], $0x80, v61, vm0, $0xb8;
	[tilespmem:$0xB000] =	vst v63  }
0x23e: {  	v26 =	vperm.xlane v17, v13;
	v25 =	vadd.s32 v3, v24;
	s26 =	simm.s32 $0x9C80  }
0x23f: {  	[tilespmem:s26], [sflag:$0x2] =	stream.indirect_vreg.gather [hbm4b:s4+s2], $0x80, v18, vm0, $0xb8;
	[tilespmem:$0xB000] =	vst v63  }
0x240: {  	v27 =	vperm.xlane v17, v14;
	s19 =	simm.s32 $0x9D00;
	v18 =	vadd.s32 v3, v26  }
0x241: {  	[tilespmem:s19], [sflag:$0x2] =	stream.indirect_vreg.gather [hbm4b:s4+s2], $0x80, v19, vm0, $0xb8;
	[tilespmem:$0xB000] =	vst v63  }
0x242: {  	v28 =	vperm.xlane v17, v15;
	s20 =	simm.s32 $0x9D80;
	v19 =	vadd.s32 v3, v27  }
0x243: {  	[tilespmem:s20], [sflag:$0x2] =	stream.indirect_vreg.gather [hbm4b:s4+s2], $0x80, v25, vm0, $0xb8;
	[tilespmem:$0xB000] =	vst v63  }
0x244: {  	v17 =	vperm.xlane v17, v16;
	v29 =	vadd.s32 v3, v28;
	s22 =	simm.s32 $0x9E00  }
0x245: {  	[tilespmem:s22], [sflag:$0x2] =	stream.indirect_vreg.gather [hbm4b:s4+s2], $0x80, v18, vm0, $0xb8;
	[tilespmem:$0xB000] =	vst v63  }
0x246: {  	v17 =	vadd.s32 v3, v17;
	s23 =	simm.s32 $0x9E80  }
0x247: {  	[tilespmem:s23], [sflag:$0x2] =	stream.indirect_vreg.gather [hbm4b:s4+s2], $0x80, v19, vm0, $0xb8;
	[tilespmem:$0xB000] =	vst v63  }
0x248: {  	s24 =	simm.s32 $0x9F00  }
0x249: {  	[tilespmem:s24], [sflag:$0x2] =	stream.indirect_vreg.gather [hbm4b:s4+s2], $0x80, v29, vm0, $0xb8;
	[tilespmem:$0xB000] =	vst v63  }
0x24a: {  	s25 =	simm.s32 $0x9F80  }
0x24b: {  	[tilespmem:s25], [sflag:$0x2] =	stream.indirect_vreg.gather [hbm4b:s4+s2], $0x80, v17, vm0, $0xb8;
	[tilespmem:$0xB000] =	vst v63  }
0x24c: {  	v17 =	vld [tilespmem:$0xE0];
	_ =	sdelay $0x4  }
0x24d: {  	v18 =	vshll.u32 v17, $0x3  }
0x24e: {  	v17 =	vand.u32 $0x7, v17;
	v18 =	vand.u32 $0xFFFFFFC0, v18  }
0x24f: {  	v17 =	vor.u32 v17, v18  }
0x250: {  	v18 =	vperm.xlane v17, v2;
	_ =	sdelay $0x1  }
0x251: {  	v19 =	vperm.xlane v17, v4;
	v18 =	vadd.s32 v3, v18;
	_ =	sdelay $0x1  }
0x252: {  	v30 =	vperm.xlane v17, v5;
	v19 =	vadd.s32 v3, v19;
	_ =	sdelay $0x1  }
0x253: {  	s26 =	simm.s32 $0xA000;
	v31 =	vperm.xlane v17, v1;
	v20 =	vadd.s32 v3, v30  }
0x254: {  	[tilespmem:s26], [sflag:$0x2] =	stream.indirect_vreg.gather [hbm4b:s4+s2], $0x80, v18, vm0, $0xb8;
	[tilespmem:$0xB000] =	vst v63  }
0x255: {  	s19 =	simm.s32 $0xA080;
	v32 =	vperm.xlane v17, v6;
	v18 =	vadd.s32 v3, v31  }
0x256: {  	[tilespmem:s19], [sflag:$0x2] =	stream.indirect_vreg.gather [hbm4b:s4+s2], $0x80, v19, vm0, $0xb8;
	[tilespmem:$0xB000] =	vst v63  }
0x257: {  	s20 =	simm.s32 $0xA100;
	v33 =	vperm.xlane v17, v7;
	v19 =	vadd.s32 v3, v32  }
0x258: {  	[tilespmem:s20], [sflag:$0x2] =	stream.indirect_vreg.gather [hbm4b:s4+s2], $0x80, v20, vm0, $0xb8;
	[tilespmem:$0xB000] =	vst v63  }
0x259: {  	s22 =	simm.s32 $0xA180;
	v35 =	vperm.xlane v17, v8;
	v34 =	vadd.s32 v3, v33  }
0x25a: {  	[tilespmem:s22], [sflag:$0x2] =	stream.indirect_vreg.gather [hbm4b:s4+s2], $0x80, v18, vm0, $0xb8;
	[tilespmem:$0xB000] =	vst v63  }
0x25b: {  	s23 =	simm.s32 $0xA200;
	v36 =	vperm.xlane v17, v0;
	v18 =	vadd.s32 v3, v35  }
0x25c: {  	[tilespmem:s23], [sflag:$0x2] =	stream.indirect_vreg.gather [hbm4b:s4+s2], $0x80, v19, vm0, $0xb8;
	[tilespmem:$0xB000] =	vst v63  }
0x25d: {  	s24 =	simm.s32 $0xA280;
	v37 =	vperm.xlane v17, v9;
	v19 =	vadd.s32 v3, v36  }
0x25e: {  	[tilespmem:s24], [sflag:$0x2] =	stream.indirect_vreg.gather [hbm4b:s4+s2], $0x80, v34, vm0, $0xb8;
	[tilespmem:$0xB000] =	vst v63  }
0x25f: {  	s25 =	simm.s32 $0xA300;
	v39 =	vperm.xlane v17, v10;
	v38 =	vadd.s32 v3, v37  }
0x260: {  	[tilespmem:s25], [sflag:$0x2] =	stream.indirect_vreg.gather [hbm4b:s4+s2], $0x80, v18, vm0, $0xb8;
	[tilespmem:$0xB000] =	vst v63  }
0x261: {  	v40 =	vperm.xlane v17, v11;
	s26 =	simm.s32 $0xA380;
	v18 =	vadd.s32 v3, v39  }
0x262: {  	[tilespmem:s26], [sflag:$0x2] =	stream.indirect_vreg.gather [hbm4b:s4+s2], $0x80, v19, vm0, $0xb8;
	[tilespmem:$0xB000] =	vst v63  }
0x263: {  	v41 =	vperm.xlane v17, v12;
	s19 =	simm.s32 $0xA400;
	v19 =	vadd.s32 v3, v40  }
0x264: {  	[tilespmem:s19], [sflag:$0x2] =	stream.indirect_vreg.gather [hbm4b:s4+s2], $0x80, v38, vm0, $0xb8;
	[tilespmem:$0xB000] =	vst v63  }
0x265: {  	v43 =	vperm.xlane v17, v13;
	v42 =	vadd.s32 v3, v41;
	s20 =	simm.s32 $0xA480  }
0x266: {  	[tilespmem:s20], [sflag:$0x2] =	stream.indirect_vreg.gather [hbm4b:s4+s2], $0x80, v18, vm0, $0xb8;
	[tilespmem:$0xB000] =	vst v63  }
0x267: {  	v44 =	vperm.xlane v17, v14;
	s22 =	simm.s32 $0xA500;
	v18 =	vadd.s32 v3, v43  }
0x268: {  	[tilespmem:s22], [sflag:$0x2] =	stream.indirect_vreg.gather [hbm4b:s4+s2], $0x80, v19, vm0, $0xb8;
	[tilespmem:$0xB000] =	vst v63  }
0x269: {  	v45 =	vperm.xlane v17, v15;
	s23 =	simm.s32 $0xA580;
	v19 =	vadd.s32 v3, v44  }
0x26a: {  	[tilespmem:s23], [sflag:$0x2] =	stream.indirect_vreg.gather [hbm4b:s4+s2], $0x80, v42, vm0, $0xb8;
	[tilespmem:$0xB000] =	vst v63  }
0x26b: {  	v17 =	vperm.xlane v17, v16;
	v46 =	vadd.s32 v3, v45;
	s24 =	simm.s32 $0xA600  }
0x26c: {  	[tilespmem:s24], [sflag:$0x2] =	stream.indirect_vreg.gather [hbm4b:s4+s2], $0x80, v18, vm0, $0xb8;
	[tilespmem:$0xB000] =	vst v63  }
0x26d: {  	v17 =	vadd.s32 v3, v17;
	s25 =	simm.s32 $0xA680  }
0x26e: {  	[tilespmem:s25], [sflag:$0x2] =	stream.indirect_vreg.gather [hbm4b:s4+s2], $0x80, v19, vm0, $0xb8;
	[tilespmem:$0xB000] =	vst v63  }
0x26f: {  	s26 =	simm.s32 $0xA700  }
0x270: {  	[tilespmem:s26], [sflag:$0x2] =	stream.indirect_vreg.gather [hbm4b:s4+s2], $0x80, v46, vm0, $0xb8;
	[tilespmem:$0xB000] =	vst v63  }
0x271: {  	_ = 	snop  }
0x272: {  	[tilespmem:s28], [sflag:$0x2] =	stream.indirect_vreg.gather [hbm4b:s4+s2], $0x80, v17, vm0, $0xb8;
	[tilespmem:$0xB000] =	vst v63  }
0x273: {  	v17 =	vld [tilespmem:$0xF0];
	_ =	sdelay $0x4  }
0x274: {  	v18 =	vshll.u32 v17, $0x3  }
0x275: {  	v17 =	vand.u32 $0x7, v17;
	v18 =	vand.u32 $0xFFFFFFC0, v18  }
0x276: {  	v17 =	vor.u32 v17, v18  }
0x277: {  	v18 =	vperm.xlane v17, v2;
	_ =	sdelay $0x1  }
0x278: {  	v19 =	vperm.xlane v17, v4;
	v18 =	vadd.s32 v3, v18;
	_ =	sdelay $0x1  }
0x279: {  	v47 =	vperm.xlane v17, v5;
	v19 =	vadd.s32 v3, v19;
	_ =	sdelay $0x1  }
0x27a: {  	v48 =	vperm.xlane v17, v1;
	v20 =	vadd.s32 v3, v47  }
0x27b: {  	[tilespmem:s29], [sflag:$0x2] =	stream.indirect_vreg.gather [hbm4b:s4+s2], $0x80, v18, vm0, $0xb8;
	[tilespmem:$0xB000] =	vst v63  }
0x27c: {  	v49 =	vperm.xlane v17, v6;
	v18 =	vadd.s32 v3, v48  }
0x27d: {  	[tilespmem:s30], [sflag:$0x2] =	stream.indirect_vreg.gather [hbm4b:s4+s2], $0x80, v19, vm0, $0xb8;
	[tilespmem:$0xB000] =	vst v63  }
0x27e: {  	v50 =	vperm.xlane v17, v7;
	v19 =	vadd.s32 v3, v49  }
0x27f: {  	[tilespmem:s31], [sflag:$0x2] =	stream.indirect_vreg.gather [hbm4b:s4+s2], $0x80, v20, vm0, $0xb8;
	[tilespmem:$0xB000] =	vst v63  }
0x280: {  	v52 =	vperm.xlane v17, v8;
	v51 =	vadd.s32 v3, v50  }
0x281: {  	[tilespmem:s0], [sflag:$0x2] =	stream.indirect_vreg.gather [hbm4b:s4+s2], $0x80, v18, vm0, $0xb8;
	[tilespmem:$0xB000] =	vst v63  }
0x282: {  	v53 =	vperm.xlane v17, v0;
	v18 =	vadd.s32 v3, v52  }
0x283: {  	[tilespmem:s5], [sflag:$0x2] =	stream.indirect_vreg.gather [hbm4b:s4+s2], $0x80, v19, vm0, $0xb8;
	[tilespmem:$0xB000] =	vst v63  }
0x284: {  	v54 =	vperm.xlane v17, v9;
	v19 =	vadd.s32 v3, v53  }
0x285: {  	[tilespmem:s8], [sflag:$0x2] =	stream.indirect_vreg.gather [hbm4b:s4+s2], $0x80, v51, vm0, $0xb8;
	[tilespmem:$0xB000] =	vst v63  }
0x286: {  	v56 =	vperm.xlane v17, v10;
	v55 =	vadd.s32 v3, v54  }
0x287: {  	[tilespmem:s10], [sflag:$0x2] =	stream.indirect_vreg.gather [hbm4b:s4+s2], $0x80, v18, vm0, $0xb8;
	[tilespmem:$0xB000] =	vst v63  }
0x288: {  	v57 =	vperm.xlane v17, v11;
	v18 =	vadd.s32 v3, v56  }
0x289: {  	[tilespmem:s9], [sflag:$0x2] =	stream.indirect_vreg.gather [hbm4b:s4+s2], $0x80, v19, vm0, $0xb8;
	[tilespmem:$0xB000] =	vst v63  }
0x28a: {  	v58 =	vperm.xlane v17, v12;
	v19 =	vadd.s32 v3, v57  }
0x28b: {  	[tilespmem:s6], [sflag:$0x2] =	stream.indirect_vreg.gather [hbm4b:s4+s2], $0x80, v55, vm0, $0xb8;
	[tilespmem:$0xB000] =	vst v63  }
0x28c: {  	v60 =	vperm.xlane v17, v13;
	v59 =	vadd.s32 v3, v58  }
0x28d: {  	[tilespmem:s7], [sflag:$0x2] =	stream.indirect_vreg.gather [hbm4b:s4+s2], $0x80, v18, vm0, $0xb8;
	[tilespmem:$0xB000] =	vst v63  }
0x28e: {  	v61 =	vperm.xlane v17, v14;
	v18 =	vadd.s32 v3, v60  }
0x28f: {  	[tilespmem:s3], [sflag:$0x2] =	stream.indirect_vreg.gather [hbm4b:s4+s2], $0x80, v19, vm0, $0xb8;
	[tilespmem:$0xB000] =	vst v63  }
0x290: {  	v62 =	vperm.xlane v17, v15;
	v19 =	vadd.s32 v3, v61  }
0x291: {  	[tilespmem:s1], [sflag:$0x2] =	stream.indirect_vreg.gather [hbm4b:s4+s2], $0x80, v59, vm0, $0xb8;
	[tilespmem:$0xB000] =	vst v63  }
0x292: {  	v17 =	vperm.xlane v17, v16;
	v63 =	vadd.s32 v3, v62  }
0x293: {  	[tilespmem:s12], [sflag:$0x2] =	stream.indirect_vreg.gather [hbm4b:s4+s2], $0x80, v18, vm0, $0xb8;
	[tilespmem:$0xB000] =	vst v63  }
0x294: {  	s18 =	rddreg [dreg:$0xb];
	v17 =	vadd.s32 v3, v17  }
0x295: {  	[tilespmem:s13], [sflag:$0x2] =	stream.indirect_vreg.gather [hbm4b:s4+s2], $0x80, v19, vm0, $0xb8;
	[tilespmem:$0xB000] =	vst v63  }
0x296: {  	s19 =	rddreg [dreg:$0xa]  }
0x297: {  	[tilespmem:s14], [sflag:$0x2] =	stream.indirect_vreg.gather [hbm4b:s4+s2], $0x80, v63, vm0, $0xb8;
	[tilespmem:$0xB000] =	vst v63  }
0x298: {  	s22 =	simm.s32 $0x0;
	s25 =	rddreg [dreg:$0x9]  }
0x299: {  	[tilespmem:s15], [sflag:$0x2] =	stream.indirect_vreg.gather [hbm4b:s4+s2], $0x80, v17, vm0, $0xb8;
	[tilespmem:$0xB000] =	vst v63  }
.LBB2_2:
0x29a: {  	_ =	swait.ge [sflag:s16], $0x4000  }
0x29b: {  	[sflag:s16] =	ssyncset.done $0x0  }
0x29c: {  	s20 =	sadd.s32 $0x0, s21;
	[sflag:s16] =	ssyncadd.s32 $0xFFFFC000  }
0x29d: {  	[spmem:s20] =	stream.linear.scatter [tilespmem:s25], [sflag:$0x3], $0x1, $0x38;
	[tilespmem:$0xB000] =	vst v63  }
0x29e: {  	s23 =	sshll.u32 s22, $0xA;
	s24 =	simm.s32 $0x4;
	s20 =	smov.u32 s25  }
.LBB2_3:
0x29f: {  	p0 =	sne.s32 s24, $0x1FC  }
.Ltmp2:
0x2a0: {  	_ = 	snop;
	(pc) =	sbr.rel @p0 .LBB2_3-.Ltmp2, $4  }
0x2a1: {  	_ = 	snop  }
0x2a2: {  	s26 =	sshra.s32 s24, $0x2;
	s24 =	sadd.s32 $0x4, s24  }
0x2a3: {  	s20 =	sadd.s32 $0x80, s20;
	s26 =	sadd.s32 s26, s21  }
0x2a4: {  	[spmem:s26] =	stream.linear.scatter [tilespmem:s20], [sflag:$0x3], $0x1, $0x38;
	[tilespmem:$0xB000] =	vst v63  }
0x2a5: {  	p0 =	seq.s32 s22, $0xF  }
.Ltmp3:
0x2a6: {  	_ = 	snop;
	(pc) =	sbr.rel @p0 .LBB2_6-.Ltmp3, $4  }
0x2a7: {  	_ = 	snop  }
0x2a8: {  	_ =	swait.ge [sflag:s11], $0x80  }
0x2a9: {  	[sflag:s11] =	ssyncset.done $0x0  }
0x2aa: {  	[sflag:s11] =	ssyncadd.s32 $0xFFFFFF80  }
0x2ab: {  	s24 =	sshrl.u32 s23, $0x2  }
0x2ac: {  	v17 =	vld [tilespmem:s24+$0x100];
	_ =	sdelay $0x4  }
0x2ad: {  	v18 =	vshll.u32 v17, $0x3  }
0x2ae: {  	v17 =	vand.u32 $0x7, v17;
	v18 =	vand.u32 $0xFFFFFFC0, v18  }
0x2af: {  	v17 =	vor.u32 v17, v18  }
0x2b0: {  	v18 =	vperm.xlane v17, v2;
	_ =	sdelay $0x1  }
0x2b1: {  	v19 =	vperm.xlane v17, v4;
	v18 =	vadd.s32 v3, v18;
	_ =	sdelay $0x1  }
0x2b2: {  	v20 =	vperm.xlane v17, v5;
	v19 =	vadd.s32 v3, v19;
	_ =	sdelay $0x1  }
0x2b3: {  	s20 =	simm.s32 $0x3000;
	v21 =	vperm.xlane v17, v1;
	v20 =	vadd.s32 v3, v20  }
0x2b4: {  	[tilespmem:s20], [sflag:$0x1] =	stream.indirect_vreg.gather [hbm4b:s4+s2], $0x80, v18, vm0, $0xb8;
	[tilespmem:$0xB000] =	vst v63  }
0x2b5: {  	s26 =	simm.s32 $0x3080;
	v50 =	vperm.xlane v17, v6;
	v18 =	vadd.s32 v3, v21  }
0x2b6: {  	[tilespmem:s26], [sflag:$0x1] =	stream.indirect_vreg.gather [hbm4b:s4+s2], $0x80, v19, vm0, $0xb8;
	[tilespmem:$0xB000] =	vst v63  }
0x2b7: {  	v51 =	vperm.xlane v17, v7;
	v19 =	vadd.s32 v3, v50;
	s26 =	simm.s32 $0x3100  }
0x2b8: {  	[tilespmem:s26], [sflag:$0x1] =	stream.indirect_vreg.gather [hbm4b:s4+s2], $0x80, v20, vm0, $0xb8;
	[tilespmem:$0xB000] =	vst v63  }
0x2b9: {  	v53 =	vperm.xlane v17, v8;
	v52 =	vadd.s32 v3, v51;
	s26 =	simm.s32 $0x3180  }
0x2ba: {  	[tilespmem:s26], [sflag:$0x1] =	stream.indirect_vreg.gather [hbm4b:s4+s2], $0x80, v18, vm0, $0xb8;
	[tilespmem:$0xB000] =	vst v63  }
0x2bb: {  	v54 =	vperm.xlane v17, v0;
	v18 =	vadd.s32 v3, v53;
	s26 =	simm.s32 $0x3200  }
0x2bc: {  	[tilespmem:s26], [sflag:$0x1] =	stream.indirect_vreg.gather [hbm4b:s4+s2], $0x80, v19, vm0, $0xb8;
	[tilespmem:$0xB000] =	vst v63  }
0x2bd: {  	v55 =	vperm.xlane v17, v9;
	v19 =	vadd.s32 v3, v54;
	s26 =	simm.s32 $0x3280  }
0x2be: {  	[tilespmem:s26], [sflag:$0x1] =	stream.indirect_vreg.gather [hbm4b:s4+s2], $0x80, v52, vm0, $0xb8;
	[tilespmem:$0xB000] =	vst v63  }
0x2bf: {  	v57 =	vperm.xlane v17, v10;
	v56 =	vadd.s32 v3, v55;
	s26 =	simm.s32 $0x3300  }
0x2c0: {  	[tilespmem:s26], [sflag:$0x1] =	stream.indirect_vreg.gather [hbm4b:s4+s2], $0x80, v18, vm0, $0xb8;
	[tilespmem:$0xB000] =	vst v63  }
0x2c1: {  	v58 =	vperm.xlane v17, v11;
	v18 =	vadd.s32 v3, v57;
	s26 =	simm.s32 $0x3380  }
0x2c2: {  	[tilespmem:s26], [sflag:$0x1] =	stream.indirect_vreg.gather [hbm4b:s4+s2], $0x80, v19, vm0, $0xb8;
	[tilespmem:$0xB000] =	vst v63  }
0x2c3: {  	v59 =	vperm.xlane v17, v12;
	v19 =	vadd.s32 v3, v58;
	s26 =	simm.s32 $0x3400  }
0x2c4: {  	[tilespmem:s26], [sflag:$0x1] =	stream.indirect_vreg.gather [hbm4b:s4+s2], $0x80, v56, vm0, $0xb8;
	[tilespmem:$0xB000] =	vst v63  }
0x2c5: {  	v61 =	vperm.xlane v17, v13;
	v60 =	vadd.s32 v3, v59;
	s26 =	simm.s32 $0x3480  }
0x2c6: {  	[tilespmem:s26], [sflag:$0x1] =	stream.indirect_vreg.gather [hbm4b:s4+s2], $0x80, v18, vm0, $0xb8;
	[tilespmem:$0xB000] =	vst v63  }
0x2c7: {  	v62 =	vperm.xlane v17, v14;
	v18 =	vadd.s32 v3, v61;
	s26 =	simm.s32 $0x3500  }
0x2c8: {  	[tilespmem:s26], [sflag:$0x1] =	stream.indirect_vreg.gather [hbm4b:s4+s2], $0x80, v19, vm0, $0xb8;
	[tilespmem:$0xB000] =	vst v63  }
0x2c9: {  	v63 =	vperm.xlane v17, v15;
	v19 =	vadd.s32 v3, v62;
	s26 =	simm.s32 $0x3580  }
0x2ca: {  	[tilespmem:s26], [sflag:$0x1] =	stream.indirect_vreg.gather [hbm4b:s4+s2], $0x80, v60, vm0, $0xb8;
	[tilespmem:$0xB000] =	vst v63  }
0x2cb: {  	v17 =	vperm.xlane v17, v16;
	v24 =	vadd.s32 v3, v63;
	s26 =	simm.s32 $0x3600  }
0x2cc: {  	[tilespmem:s26], [sflag:$0x1] =	stream.indirect_vreg.gather [hbm4b:s4+s2], $0x80, v18, vm0, $0xb8;
	[tilespmem:$0xB000] =	vst v63  }
0x2cd: {  	v17 =	vadd.s32 v3, v17;
	s26 =	simm.s32 $0x3680  }
0x2ce: {  	[tilespmem:s26], [sflag:$0x1] =	stream.indirect_vreg.gather [hbm4b:s4+s2], $0x80, v19, vm0, $0xb8;
	[tilespmem:$0xB000] =	vst v63  }
0x2cf: {  	s26 =	simm.s32 $0x3700  }
0x2d0: {  	[tilespmem:s26], [sflag:$0x1] =	stream.indirect_vreg.gather [hbm4b:s4+s2], $0x80, v24, vm0, $0xb8;
	[tilespmem:$0xB000] =	vst v63  }
0x2d1: {  	s26 =	simm.s32 $0x3780  }
0x2d2: {  	[tilespmem:s26], [sflag:$0x1] =	stream.indirect_vreg.gather [hbm4b:s4+s2], $0x80, v17, vm0, $0xb8;
	[tilespmem:$0xB000] =	vst v63  }
0x2d3: {  	v17 =	vld [tilespmem:s24+$0x110];
	_ =	sdelay $0x4  }
0x2d4: {  	v18 =	vshll.u32 v17, $0x3  }
0x2d5: {  	v17 =	vand.u32 $0x7, v17;
	v18 =	vand.u32 $0xFFFFFFC0, v18  }
0x2d6: {  	v17 =	vor.u32 v17, v18  }
0x2d7: {  	v18 =	vperm.xlane v17, v2;
	_ =	sdelay $0x1  }
0x2d8: {  	v19 =	vperm.xlane v17, v4;
	v18 =	vadd.s32 v3, v18;
	_ =	sdelay $0x1  }
0x2d9: {  	v25 =	vperm.xlane v17, v5;
	v19 =	vadd.s32 v3, v19;
	_ =	sdelay $0x1  }
0x2da: {  	s26 =	simm.s32 $0x3800;
	v26 =	vperm.xlane v17, v1;
	v20 =	vadd.s32 v3, v25  }
0x2db: {  	[tilespmem:s26], [sflag:$0x1] =	stream.indirect_vreg.gather [hbm4b:s4+s2], $0x80, v18, vm0, $0xb8;
	[tilespmem:$0xB000] =	vst v63  }
0x2dc: {  	v27 =	vperm.xlane v17, v6;
	v18 =	vadd.s32 v3, v26;
	s26 =	simm.s32 $0x3880  }
0x2dd: {  	[tilespmem:s26], [sflag:$0x1] =	stream.indirect_vreg.gather [hbm4b:s4+s2], $0x80, v19, vm0, $0xb8;
	[tilespmem:$0xB000] =	vst v63  }
0x2de: {  	v28 =	vperm.xlane v17, v7;
	v19 =	vadd.s32 v3, v27;
	s26 =	simm.s32 $0x3900  }
0x2df: {  	[tilespmem:s26], [sflag:$0x1] =	stream.indirect_vreg.gather [hbm4b:s4+s2], $0x80, v20, vm0, $0xb8;
	[tilespmem:$0xB000] =	vst v63  }
0x2e0: {  	v30 =	vperm.xlane v17, v8;
	v29 =	vadd.s32 v3, v28;
	s26 =	simm.s32 $0x3980  }
0x2e1: {  	[tilespmem:s26], [sflag:$0x1] =	stream.indirect_vreg.gather [hbm4b:s4+s2], $0x80, v18, vm0, $0xb8;
	[tilespmem:$0xB000] =	vst v63  }
0x2e2: {  	v31 =	vperm.xlane v17, v0;
	v18 =	vadd.s32 v3, v30;
	s26 =	simm.s32 $0x3A00  }
0x2e3: {  	[tilespmem:s26], [sflag:$0x1] =	stream.indirect_vreg.gather [hbm4b:s4+s2], $0x80, v19, vm0, $0xb8;
	[tilespmem:$0xB000] =	vst v63  }
0x2e4: {  	v32 =	vperm.xlane v17, v9;
	v19 =	vadd.s32 v3, v31;
	s26 =	simm.s32 $0x3A80  }
0x2e5: {  	[tilespmem:s26], [sflag:$0x1] =	stream.indirect_vreg.gather [hbm4b:s4+s2], $0x80, v29, vm0, $0xb8;
	[tilespmem:$0xB000] =	vst v63  }
0x2e6: {  	v34 =	vperm.xlane v17, v10;
	v33 =	vadd.s32 v3, v32;
	s26 =	simm.s32 $0x3B00  }
0x2e7: {  	[tilespmem:s26], [sflag:$0x1] =	stream.indirect_vreg.gather [hbm4b:s4+s2], $0x80, v18, vm0, $0xb8;
	[tilespmem:$0xB000] =	vst v63  }
0x2e8: {  	v35 =	vperm.xlane v17, v11;
	v18 =	vadd.s32 v3, v34;
	s26 =	simm.s32 $0x3B80  }
0x2e9: {  	[tilespmem:s26], [sflag:$0x1] =	stream.indirect_vreg.gather [hbm4b:s4+s2], $0x80, v19, vm0, $0xb8;
	[tilespmem:$0xB000] =	vst v63  }
0x2ea: {  	v36 =	vperm.xlane v17, v12;
	v19 =	vadd.s32 v3, v35;
	s26 =	simm.s32 $0x3C00  }
0x2eb: {  	[tilespmem:s26], [sflag:$0x1] =	stream.indirect_vreg.gather [hbm4b:s4+s2], $0x80, v33, vm0, $0xb8;
	[tilespmem:$0xB000] =	vst v63  }
0x2ec: {  	v38 =	vperm.xlane v17, v13;
	v37 =	vadd.s32 v3, v36;
	s26 =	simm.s32 $0x3C80  }
0x2ed: {  	[tilespmem:s26], [sflag:$0x1] =	stream.indirect_vreg.gather [hbm4b:s4+s2], $0x80, v18, vm0, $0xb8;
	[tilespmem:$0xB000] =	vst v63  }
0x2ee: {  	v39 =	vperm.xlane v17, v14;
	v18 =	vadd.s32 v3, v38;
	s26 =	simm.s32 $0x3D00  }
0x2ef: {  	[tilespmem:s26], [sflag:$0x1] =	stream.indirect_vreg.gather [hbm4b:s4+s2], $0x80, v19, vm0, $0xb8;
	[tilespmem:$0xB000] =	vst v63  }
0x2f0: {  	v40 =	vperm.xlane v17, v15;
	v19 =	vadd.s32 v3, v39;
	s26 =	simm.s32 $0x3D80  }
0x2f1: {  	[tilespmem:s26], [sflag:$0x1] =	stream.indirect_vreg.gather [hbm4b:s4+s2], $0x80, v37, vm0, $0xb8;
	[tilespmem:$0xB000] =	vst v63  }
0x2f2: {  	v17 =	vperm.xlane v17, v16;
	v41 =	vadd.s32 v3, v40;
	s26 =	simm.s32 $0x3E00  }
0x2f3: {  	[tilespmem:s26], [sflag:$0x1] =	stream.indirect_vreg.gather [hbm4b:s4+s2], $0x80, v18, vm0, $0xb8;
	[tilespmem:$0xB000] =	vst v63  }
0x2f4: {  	v17 =	vadd.s32 v3, v17;
	s26 =	simm.s32 $0x3E80  }
0x2f5: {  	[tilespmem:s26], [sflag:$0x1] =	stream.indirect_vreg.gather [hbm4b:s4+s2], $0x80, v19, vm0, $0xb8;
	[tilespmem:$0xB000] =	vst v63  }
0x2f6: {  	s26 =	simm.s32 $0x3F00  }
0x2f7: {  	[tilespmem:s26], [sflag:$0x1] =	stream.indirect_vreg.gather [hbm4b:s4+s2], $0x80, v41, vm0, $0xb8;
	[tilespmem:$0xB000] =	vst v63  }
0x2f8: {  	s26 =	simm.s32 $0x3F80  }
0x2f9: {  	[tilespmem:s26], [sflag:$0x1] =	stream.indirect_vreg.gather [hbm4b:s4+s2], $0x80, v17, vm0, $0xb8;
	[tilespmem:$0xB000] =	vst v63  }
0x2fa: {  	v17 =	vld [tilespmem:s24+$0x120];
	_ =	sdelay $0x4  }
0x2fb: {  	v18 =	vshll.u32 v17, $0x3  }
0x2fc: {  	v17 =	vand.u32 $0x7, v17;
	v18 =	vand.u32 $0xFFFFFFC0, v18  }
0x2fd: {  	v17 =	vor.u32 v17, v18  }
0x2fe: {  	v18 =	vperm.xlane v17, v2;
	_ =	sdelay $0x1  }
0x2ff: {  	v19 =	vperm.xlane v17, v4;
	v18 =	vadd.s32 v3, v18;
	_ =	sdelay $0x1  }
0x300: {  	v42 =	vperm.xlane v17, v5;
	v19 =	vadd.s32 v3, v19;
	_ =	sdelay $0x1  }
0x301: {  	s26 =	simm.s32 $0x4000;
	v43 =	vperm.xlane v17, v1;
	v20 =	vadd.s32 v3, v42  }
0x302: {  	[tilespmem:s26], [sflag:$0x1] =	stream.indirect_vreg.gather [hbm4b:s4+s2], $0x80, v18, vm0, $0xb8;
	[tilespmem:$0xB000] =	vst v63  }
0x303: {  	v44 =	vperm.xlane v17, v6;
	v18 =	vadd.s32 v3, v43;
	s26 =	simm.s32 $0x4080  }
0x304: {  	[tilespmem:s26], [sflag:$0x1] =	stream.indirect_vreg.gather [hbm4b:s4+s2], $0x80, v19, vm0, $0xb8;
	[tilespmem:$0xB000] =	vst v63  }
0x305: {  	v45 =	vperm.xlane v17, v7;
	v19 =	vadd.s32 v3, v44;
	s26 =	simm.s32 $0x4100  }
0x306: {  	[tilespmem:s26], [sflag:$0x1] =	stream.indirect_vreg.gather [hbm4b:s4+s2], $0x80, v20, vm0, $0xb8;
	[tilespmem:$0xB000] =	vst v63  }
0x307: {  	v47 =	vperm.xlane v17, v8;
	v46 =	vadd.s32 v3, v45;
	s26 =	simm.s32 $0x4180  }
0x308: {  	[tilespmem:s26], [sflag:$0x1] =	stream.indirect_vreg.gather [hbm4b:s4+s2], $0x80, v18, vm0, $0xb8;
	[tilespmem:$0xB000] =	vst v63  }
0x309: {  	v48 =	vperm.xlane v17, v0;
	v18 =	vadd.s32 v3, v47;
	s26 =	simm.s32 $0x4200  }
0x30a: {  	[tilespmem:s26], [sflag:$0x1] =	stream.indirect_vreg.gather [hbm4b:s4+s2], $0x80, v19, vm0, $0xb8;
	[tilespmem:$0xB000] =	vst v63  }
0x30b: {  	v49 =	vperm.xlane v17, v9;
	v19 =	vadd.s32 v3, v48;
	s26 =	simm.s32 $0x4280  }
0x30c: {  	[tilespmem:s26], [sflag:$0x1] =	stream.indirect_vreg.gather [hbm4b:s4+s2], $0x80, v46, vm0, $0xb8;
	[tilespmem:$0xB000] =	vst v63  }
0x30d: {  	v51 =	vperm.xlane v17, v10;
	v50 =	vadd.s32 v3, v49;
	s26 =	simm.s32 $0x4300  }
0x30e: {  	[tilespmem:s26], [sflag:$0x1] =	stream.indirect_vreg.gather [hbm4b:s4+s2], $0x80, v18, vm0, $0xb8;
	[tilespmem:$0xB000] =	vst v63  }
0x30f: {  	v52 =	vperm.xlane v17, v11;
	v18 =	vadd.s32 v3, v51;
	s26 =	simm.s32 $0x4380  }
0x310: {  	[tilespmem:s26], [sflag:$0x1] =	stream.indirect_vreg.gather [hbm4b:s4+s2], $0x80, v19, vm0, $0xb8;
	[tilespmem:$0xB000] =	vst v63  }
0x311: {  	v53 =	vperm.xlane v17, v12;
	v19 =	vadd.s32 v3, v52;
	s26 =	simm.s32 $0x4400  }
0x312: {  	[tilespmem:s26], [sflag:$0x1] =	stream.indirect_vreg.gather [hbm4b:s4+s2], $0x80, v50, vm0, $0xb8;
	[tilespmem:$0xB000] =	vst v63  }
0x313: {  	v55 =	vperm.xlane v17, v13;
	v54 =	vadd.s32 v3, v53;
	s26 =	simm.s32 $0x4480  }
0x314: {  	[tilespmem:s26], [sflag:$0x1] =	stream.indirect_vreg.gather [hbm4b:s4+s2], $0x80, v18, vm0, $0xb8;
	[tilespmem:$0xB000] =	vst v63  }
0x315: {  	v56 =	vperm.xlane v17, v14;
	v18 =	vadd.s32 v3, v55;
	s26 =	simm.s32 $0x4500  }
0x316: {  	[tilespmem:s26], [sflag:$0x1] =	stream.indirect_vreg.gather [hbm4b:s4+s2], $0x80, v19, vm0, $0xb8;
	[tilespmem:$0xB000] =	vst v63  }
0x317: {  	v57 =	vperm.xlane v17, v15;
	v19 =	vadd.s32 v3, v56;
	s26 =	simm.s32 $0x4580  }
0x318: {  	[tilespmem:s26], [sflag:$0x1] =	stream.indirect_vreg.gather [hbm4b:s4+s2], $0x80, v54, vm0, $0xb8;
	[tilespmem:$0xB000] =	vst v63  }
0x319: {  	v17 =	vperm.xlane v17, v16;
	v58 =	vadd.s32 v3, v57;
	s26 =	simm.s32 $0x4600  }
0x31a: {  	[tilespmem:s26], [sflag:$0x1] =	stream.indirect_vreg.gather [hbm4b:s4+s2], $0x80, v18, vm0, $0xb8;
	[tilespmem:$0xB000] =	vst v63  }
0x31b: {  	v17 =	vadd.s32 v3, v17;
	s26 =	simm.s32 $0x4680  }
0x31c: {  	[tilespmem:s26], [sflag:$0x1] =	stream.indirect_vreg.gather [hbm4b:s4+s2], $0x80, v19, vm0, $0xb8;
	[tilespmem:$0xB000] =	vst v63  }
0x31d: {  	s26 =	simm.s32 $0x4700  }
0x31e: {  	[tilespmem:s26], [sflag:$0x1] =	stream.indirect_vreg.gather [hbm4b:s4+s2], $0x80, v58, vm0, $0xb8;
	[tilespmem:$0xB000] =	vst v63  }
0x31f: {  	s26 =	simm.s32 $0x4780  }
0x320: {  	[tilespmem:s26], [sflag:$0x1] =	stream.indirect_vreg.gather [hbm4b:s4+s2], $0x80, v17, vm0, $0xb8;
	[tilespmem:$0xB000] =	vst v63  }
0x321: {  	v17 =	vld [tilespmem:s24+$0x130];
	_ =	sdelay $0x4  }
0x322: {  	v18 =	vshll.u32 v17, $0x3  }
0x323: {  	v17 =	vand.u32 $0x7, v17;
	v18 =	vand.u32 $0xFFFFFFC0, v18  }
0x324: {  	v17 =	vor.u32 v17, v18  }
0x325: {  	v18 =	vperm.xlane v17, v2;
	_ =	sdelay $0x1  }
0x326: {  	v19 =	vperm.xlane v17, v4;
	v18 =	vadd.s32 v3, v18;
	_ =	sdelay $0x1  }
0x327: {  	v59 =	vperm.xlane v17, v5;
	v19 =	vadd.s32 v3, v19;
	_ =	sdelay $0x1  }
0x328: {  	s26 =	simm.s32 $0x4800;
	v60 =	vperm.xlane v17, v1;
	v20 =	vadd.s32 v3, v59  }
0x329: {  	[tilespmem:s26], [sflag:$0x1] =	stream.indirect_vreg.gather [hbm4b:s4+s2], $0x80, v18, vm0, $0xb8;
	[tilespmem:$0xB000] =	vst v63  }
0x32a: {  	v61 =	vperm.xlane v17, v6;
	v18 =	vadd.s32 v3, v60;
	s26 =	simm.s32 $0x4880  }
0x32b: {  	[tilespmem:s26], [sflag:$0x1] =	stream.indirect_vreg.gather [hbm4b:s4+s2], $0x80, v19, vm0, $0xb8;
	[tilespmem:$0xB000] =	vst v63  }
0x32c: {  	v62 =	vperm.xlane v17, v7;
	v19 =	vadd.s32 v3, v61;
	s26 =	simm.s32 $0x4900  }
0x32d: {  	[tilespmem:s26], [sflag:$0x1] =	stream.indirect_vreg.gather [hbm4b:s4+s2], $0x80, v20, vm0, $0xb8;
	[tilespmem:$0xB000] =	vst v63  }
0x32e: {  	v24 =	vperm.xlane v17, v8;
	v63 =	vadd.s32 v3, v62;
	s26 =	simm.s32 $0x4980  }
0x32f: {  	[tilespmem:s26], [sflag:$0x1] =	stream.indirect_vreg.gather [hbm4b:s4+s2], $0x80, v18, vm0, $0xb8;
	[tilespmem:$0xB000] =	vst v63  }
0x330: {  	v25 =	vperm.xlane v17, v0;
	v18 =	vadd.s32 v3, v24;
	s26 =	simm.s32 $0x4A00  }
0x331: {  	[tilespmem:s26], [sflag:$0x1] =	stream.indirect_vreg.gather [hbm4b:s4+s2], $0x80, v19, vm0, $0xb8;
	[tilespmem:$0xB000] =	vst v63  }
0x332: {  	v26 =	vperm.xlane v17, v9;
	v19 =	vadd.s32 v3, v25;
	s26 =	simm.s32 $0x4A80  }
0x333: {  	[tilespmem:s26], [sflag:$0x1] =	stream.indirect_vreg.gather [hbm4b:s4+s2], $0x80, v63, vm0, $0xb8;
	[tilespmem:$0xB000] =	vst v63  }
0x334: {  	v28 =	vperm.xlane v17, v10;
	v27 =	vadd.s32 v3, v26;
	s26 =	simm.s32 $0x4B00  }
0x335: {  	[tilespmem:s26], [sflag:$0x1] =	stream.indirect_vreg.gather [hbm4b:s4+s2], $0x80, v18, vm0, $0xb8;
	[tilespmem:$0xB000] =	vst v63  }
0x336: {  	v29 =	vperm.xlane v17, v11;
	v18 =	vadd.s32 v3, v28;
	s26 =	simm.s32 $0x4B80  }
0x337: {  	[tilespmem:s26], [sflag:$0x1] =	stream.indirect_vreg.gather [hbm4b:s4+s2], $0x80, v19, vm0, $0xb8;
	[tilespmem:$0xB000] =	vst v63  }
0x338: {  	v30 =	vperm.xlane v17, v12;
	v19 =	vadd.s32 v3, v29;
	s26 =	simm.s32 $0x4C00  }
0x339: {  	[tilespmem:s26], [sflag:$0x1] =	stream.indirect_vreg.gather [hbm4b:s4+s2], $0x80, v27, vm0, $0xb8;
	[tilespmem:$0xB000] =	vst v63  }
0x33a: {  	v32 =	vperm.xlane v17, v13;
	v31 =	vadd.s32 v3, v30;
	s26 =	simm.s32 $0x4C80  }
0x33b: {  	[tilespmem:s26], [sflag:$0x1] =	stream.indirect_vreg.gather [hbm4b:s4+s2], $0x80, v18, vm0, $0xb8;
	[tilespmem:$0xB000] =	vst v63  }
0x33c: {  	v33 =	vperm.xlane v17, v14;
	v18 =	vadd.s32 v3, v32;
	s26 =	simm.s32 $0x4D00  }
0x33d: {  	[tilespmem:s26], [sflag:$0x1] =	stream.indirect_vreg.gather [hbm4b:s4+s2], $0x80, v19, vm0, $0xb8;
	[tilespmem:$0xB000] =	vst v63  }
0x33e: {  	v34 =	vperm.xlane v17, v15;
	v19 =	vadd.s32 v3, v33;
	s26 =	simm.s32 $0x4D80  }
0x33f: {  	[tilespmem:s26], [sflag:$0x1] =	stream.indirect_vreg.gather [hbm4b:s4+s2], $0x80, v31, vm0, $0xb8;
	[tilespmem:$0xB000] =	vst v63  }
0x340: {  	v17 =	vperm.xlane v17, v16;
	v35 =	vadd.s32 v3, v34;
	s26 =	simm.s32 $0x4E00  }
0x341: {  	[tilespmem:s26], [sflag:$0x1] =	stream.indirect_vreg.gather [hbm4b:s4+s2], $0x80, v18, vm0, $0xb8;
	[tilespmem:$0xB000] =	vst v63  }
0x342: {  	v17 =	vadd.s32 v3, v17;
	s26 =	simm.s32 $0x4E80  }
0x343: {  	[tilespmem:s26], [sflag:$0x1] =	stream.indirect_vreg.gather [hbm4b:s4+s2], $0x80, v19, vm0, $0xb8;
	[tilespmem:$0xB000] =	vst v63  }
0x344: {  	s26 =	simm.s32 $0x4F00  }
0x345: {  	[tilespmem:s26], [sflag:$0x1] =	stream.indirect_vreg.gather [hbm4b:s4+s2], $0x80, v35, vm0, $0xb8;
	[tilespmem:$0xB000] =	vst v63  }
0x346: {  	s26 =	simm.s32 $0x4F80  }
0x347: {  	[tilespmem:s26], [sflag:$0x1] =	stream.indirect_vreg.gather [hbm4b:s4+s2], $0x80, v17, vm0, $0xb8;
	[tilespmem:$0xB000] =	vst v63  }
0x348: {  	v17 =	vld [tilespmem:s24+$0x140];
	_ =	sdelay $0x4  }
0x349: {  	v18 =	vshll.u32 v17, $0x3  }
0x34a: {  	v17 =	vand.u32 $0x7, v17;
	v18 =	vand.u32 $0xFFFFFFC0, v18  }
0x34b: {  	v17 =	vor.u32 v17, v18  }
0x34c: {  	v18 =	vperm.xlane v17, v2;
	_ =	sdelay $0x1  }
0x34d: {  	v19 =	vperm.xlane v17, v4;
	v18 =	vadd.s32 v3, v18;
	_ =	sdelay $0x1  }
0x34e: {  	v36 =	vperm.xlane v17, v5;
	v19 =	vadd.s32 v3, v19;
	_ =	sdelay $0x1  }
0x34f: {  	s26 =	simm.s32 $0x5000;
	v37 =	vperm.xlane v17, v1;
	v20 =	vadd.s32 v3, v36  }
0x350: {  	[tilespmem:s26], [sflag:$0x1] =	stream.indirect_vreg.gather [hbm4b:s4+s2], $0x80, v18, vm0, $0xb8;
	[tilespmem:$0xB000] =	vst v63  }
0x351: {  	v38 =	vperm.xlane v17, v6;
	v18 =	vadd.s32 v3, v37;
	s26 =	simm.s32 $0x5080  }
0x352: {  	[tilespmem:s26], [sflag:$0x1] =	stream.indirect_vreg.gather [hbm4b:s4+s2], $0x80, v19, vm0, $0xb8;
	[tilespmem:$0xB000] =	vst v63  }
0x353: {  	v39 =	vperm.xlane v17, v7;
	v19 =	vadd.s32 v3, v38;
	s26 =	simm.s32 $0x5100  }
0x354: {  	[tilespmem:s26], [sflag:$0x1] =	stream.indirect_vreg.gather [hbm4b:s4+s2], $0x80, v20, vm0, $0xb8;
	[tilespmem:$0xB000] =	vst v63  }
0x355: {  	v41 =	vperm.xlane v17, v8;
	v40 =	vadd.s32 v3, v39;
	s26 =	simm.s32 $0x5180  }
0x356: {  	[tilespmem:s26], [sflag:$0x1] =	stream.indirect_vreg.gather [hbm4b:s4+s2], $0x80, v18, vm0, $0xb8;
	[tilespmem:$0xB000] =	vst v63  }
0x357: {  	v42 =	vperm.xlane v17, v0;
	v18 =	vadd.s32 v3, v41;
	s26 =	simm.s32 $0x5200  }
0x358: {  	[tilespmem:s26], [sflag:$0x1] =	stream.indirect_vreg.gather [hbm4b:s4+s2], $0x80, v19, vm0, $0xb8;
	[tilespmem:$0xB000] =	vst v63  }
0x359: {  	v43 =	vperm.xlane v17, v9;
	v19 =	vadd.s32 v3, v42;
	s26 =	simm.s32 $0x5280  }
0x35a: {  	[tilespmem:s26], [sflag:$0x1] =	stream.indirect_vreg.gather [hbm4b:s4+s2], $0x80, v40, vm0, $0xb8;
	[tilespmem:$0xB000] =	vst v63  }
0x35b: {  	v45 =	vperm.xlane v17, v10;
	v44 =	vadd.s32 v3, v43;
	s26 =	simm.s32 $0x5300  }
0x35c: {  	[tilespmem:s26], [sflag:$0x1] =	stream.indirect_vreg.gather [hbm4b:s4+s2], $0x80, v18, vm0, $0xb8;
	[tilespmem:$0xB000] =	vst v63  }
0x35d: {  	v46 =	vperm.xlane v17, v11;
	v18 =	vadd.s32 v3, v45;
	s26 =	simm.s32 $0x5380  }
0x35e: {  	[tilespmem:s26], [sflag:$0x1] =	stream.indirect_vreg.gather [hbm4b:s4+s2], $0x80, v19, vm0, $0xb8;
	[tilespmem:$0xB000] =	vst v63  }
0x35f: {  	v47 =	vperm.xlane v17, v12;
	v19 =	vadd.s32 v3, v46;
	s26 =	simm.s32 $0x5400  }
0x360: {  	[tilespmem:s26], [sflag:$0x1] =	stream.indirect_vreg.gather [hbm4b:s4+s2], $0x80, v44, vm0, $0xb8;
	[tilespmem:$0xB000] =	vst v63  }
0x361: {  	v49 =	vperm.xlane v17, v13;
	v48 =	vadd.s32 v3, v47;
	s26 =	simm.s32 $0x5480  }
0x362: {  	[tilespmem:s26], [sflag:$0x1] =	stream.indirect_vreg.gather [hbm4b:s4+s2], $0x80, v18, vm0, $0xb8;
	[tilespmem:$0xB000] =	vst v63  }
0x363: {  	v50 =	vperm.xlane v17, v14;
	v18 =	vadd.s32 v3, v49;
	s26 =	simm.s32 $0x5500  }
0x364: {  	[tilespmem:s26], [sflag:$0x1] =	stream.indirect_vreg.gather [hbm4b:s4+s2], $0x80, v19, vm0, $0xb8;
	[tilespmem:$0xB000] =	vst v63  }
0x365: {  	v51 =	vperm.xlane v17, v15;
	v19 =	vadd.s32 v3, v50;
	s26 =	simm.s32 $0x5580  }
0x366: {  	[tilespmem:s26], [sflag:$0x1] =	stream.indirect_vreg.gather [hbm4b:s4+s2], $0x80, v48, vm0, $0xb8;
	[tilespmem:$0xB000] =	vst v63  }
0x367: {  	v17 =	vperm.xlane v17, v16;
	v52 =	vadd.s32 v3, v51;
	s26 =	simm.s32 $0x5600  }
0x368: {  	[tilespmem:s26], [sflag:$0x1] =	stream.indirect_vreg.gather [hbm4b:s4+s2], $0x80, v18, vm0, $0xb8;
	[tilespmem:$0xB000] =	vst v63  }
0x369: {  	v17 =	vadd.s32 v3, v17;
	s26 =	simm.s32 $0x5680  }
0x36a: {  	[tilespmem:s26], [sflag:$0x1] =	stream.indirect_vreg.gather [hbm4b:s4+s2], $0x80, v19, vm0, $0xb8;
	[tilespmem:$0xB000] =	vst v63  }
0x36b: {  	s26 =	simm.s32 $0x5700  }
0x36c: {  	[tilespmem:s26], [sflag:$0x1] =	stream.indirect_vreg.gather [hbm4b:s4+s2], $0x80, v52, vm0, $0xb8;
	[tilespmem:$0xB000] =	vst v63  }
0x36d: {  	s26 =	simm.s32 $0x5780  }
0x36e: {  	[tilespmem:s26], [sflag:$0x1] =	stream.indirect_vreg.gather [hbm4b:s4+s2], $0x80, v17, vm0, $0xb8;
	[tilespmem:$0xB000] =	vst v63  }
0x36f: {  	v17 =	vld [tilespmem:s24+$0x150];
	_ =	sdelay $0x4  }
0x370: {  	v18 =	vshll.u32 v17, $0x3  }
0x371: {  	v17 =	vand.u32 $0x7, v17;
	v18 =	vand.u32 $0xFFFFFFC0, v18  }
0x372: {  	v17 =	vor.u32 v17, v18  }
0x373: {  	v18 =	vperm.xlane v17, v2;
	_ =	sdelay $0x1  }
0x374: {  	v19 =	vperm.xlane v17, v4;
	v18 =	vadd.s32 v3, v18;
	_ =	sdelay $0x1  }
0x375: {  	v53 =	vperm.xlane v17, v5;
	v19 =	vadd.s32 v3, v19;
	_ =	sdelay $0x1  }
0x376: {  	s26 =	simm.s32 $0x5800;
	v54 =	vperm.xlane v17, v1;
	v20 =	vadd.s32 v3, v53  }
0x377: {  	[tilespmem:s26], [sflag:$0x1] =	stream.indirect_vreg.gather [hbm4b:s4+s2], $0x80, v18, vm0, $0xb8;
	[tilespmem:$0xB000] =	vst v63  }
0x378: {  	v55 =	vperm.xlane v17, v6;
	v18 =	vadd.s32 v3, v54;
	s26 =	simm.s32 $0x5880  }
0x379: {  	[tilespmem:s26], [sflag:$0x1] =	stream.indirect_vreg.gather [hbm4b:s4+s2], $0x80, v19, vm0, $0xb8;
	[tilespmem:$0xB000] =	vst v63  }
0x37a: {  	v56 =	vperm.xlane v17, v7;
	v19 =	vadd.s32 v3, v55;
	s26 =	simm.s32 $0x5900  }
0x37b: {  	[tilespmem:s26], [sflag:$0x1] =	stream.indirect_vreg.gather [hbm4b:s4+s2], $0x80, v20, vm0, $0xb8;
	[tilespmem:$0xB000] =	vst v63  }
0x37c: {  	v58 =	vperm.xlane v17, v8;
	v57 =	vadd.s32 v3, v56;
	s26 =	simm.s32 $0x5980  }
0x37d: {  	[tilespmem:s26], [sflag:$0x1] =	stream.indirect_vreg.gather [hbm4b:s4+s2], $0x80, v18, vm0, $0xb8;
	[tilespmem:$0xB000] =	vst v63  }
0x37e: {  	v59 =	vperm.xlane v17, v0;
	v18 =	vadd.s32 v3, v58;
	s26 =	simm.s32 $0x5A00  }
0x37f: {  	[tilespmem:s26], [sflag:$0x1] =	stream.indirect_vreg.gather [hbm4b:s4+s2], $0x80, v19, vm0, $0xb8;
	[tilespmem:$0xB000] =	vst v63  }
0x380: {  	v60 =	vperm.xlane v17, v9;
	v19 =	vadd.s32 v3, v59;
	s26 =	simm.s32 $0x5A80  }
0x381: {  	[tilespmem:s26], [sflag:$0x1] =	stream.indirect_vreg.gather [hbm4b:s4+s2], $0x80, v57, vm0, $0xb8;
	[tilespmem:$0xB000] =	vst v63  }
0x382: {  	v62 =	vperm.xlane v17, v10;
	v61 =	vadd.s32 v3, v60;
	s26 =	simm.s32 $0x5B00  }
0x383: {  	[tilespmem:s26], [sflag:$0x1] =	stream.indirect_vreg.gather [hbm4b:s4+s2], $0x80, v18, vm0, $0xb8;
	[tilespmem:$0xB000] =	vst v63  }
0x384: {  	v63 =	vperm.xlane v17, v11;
	v18 =	vadd.s32 v3, v62;
	s26 =	simm.s32 $0x5B80  }
0x385: {  	[tilespmem:s26], [sflag:$0x1] =	stream.indirect_vreg.gather [hbm4b:s4+s2], $0x80, v19, vm0, $0xb8;
	[tilespmem:$0xB000] =	vst v63  }
0x386: {  	v24 =	vperm.xlane v17, v12;
	v19 =	vadd.s32 v3, v63;
	s26 =	simm.s32 $0x5C00  }
0x387: {  	[tilespmem:s26], [sflag:$0x1] =	stream.indirect_vreg.gather [hbm4b:s4+s2], $0x80, v61, vm0, $0xb8;
	[tilespmem:$0xB000] =	vst v63  }
0x388: {  	v26 =	vperm.xlane v17, v13;
	v25 =	vadd.s32 v3, v24;
	s26 =	simm.s32 $0x5C80  }
0x389: {  	[tilespmem:s26], [sflag:$0x1] =	stream.indirect_vreg.gather [hbm4b:s4+s2], $0x80, v18, vm0, $0xb8;
	[tilespmem:$0xB000] =	vst v63  }
0x38a: {  	v27 =	vperm.xlane v17, v14;
	v18 =	vadd.s32 v3, v26;
	s26 =	simm.s32 $0x5D00  }
0x38b: {  	[tilespmem:s26], [sflag:$0x1] =	stream.indirect_vreg.gather [hbm4b:s4+s2], $0x80, v19, vm0, $0xb8;
	[tilespmem:$0xB000] =	vst v63  }
0x38c: {  	v28 =	vperm.xlane v17, v15;
	v19 =	vadd.s32 v3, v27;
	s26 =	simm.s32 $0x5D80  }
0x38d: {  	[tilespmem:s26], [sflag:$0x1] =	stream.indirect_vreg.gather [hbm4b:s4+s2], $0x80, v25, vm0, $0xb8;
	[tilespmem:$0xB000] =	vst v63  }
0x38e: {  	v17 =	vperm.xlane v17, v16;
	v29 =	vadd.s32 v3, v28;
	s26 =	simm.s32 $0x5E00  }
0x38f: {  	[tilespmem:s26], [sflag:$0x1] =	stream.indirect_vreg.gather [hbm4b:s4+s2], $0x80, v18, vm0, $0xb8;
	[tilespmem:$0xB000] =	vst v63  }
0x390: {  	v17 =	vadd.s32 v3, v17;
	s26 =	simm.s32 $0x5E80  }
0x391: {  	[tilespmem:s26], [sflag:$0x1] =	stream.indirect_vreg.gather [hbm4b:s4+s2], $0x80, v19, vm0, $0xb8;
	[tilespmem:$0xB000] =	vst v63  }
0x392: {  	s26 =	simm.s32 $0x5F00  }
0x393: {  	[tilespmem:s26], [sflag:$0x1] =	stream.indirect_vreg.gather [hbm4b:s4+s2], $0x80, v29, vm0, $0xb8;
	[tilespmem:$0xB000] =	vst v63  }
0x394: {  	s26 =	simm.s32 $0x5F80  }
0x395: {  	[tilespmem:s26], [sflag:$0x1] =	stream.indirect_vreg.gather [hbm4b:s4+s2], $0x80, v17, vm0, $0xb8;
	[tilespmem:$0xB000] =	vst v63  }
0x396: {  	v17 =	vld [tilespmem:s24+$0x160];
	_ =	sdelay $0x4  }
0x397: {  	v18 =	vshll.u32 v17, $0x3  }
0x398: {  	v17 =	vand.u32 $0x7, v17;
	v18 =	vand.u32 $0xFFFFFFC0, v18  }
0x399: {  	v17 =	vor.u32 v17, v18  }
0x39a: {  	v18 =	vperm.xlane v17, v2;
	_ =	sdelay $0x1  }
0x39b: {  	v19 =	vperm.xlane v17, v4;
	v18 =	vadd.s32 v3, v18;
	_ =	sdelay $0x1  }
0x39c: {  	v30 =	vperm.xlane v17, v5;
	v19 =	vadd.s32 v3, v19;
	_ =	sdelay $0x1  }
0x39d: {  	s26 =	simm.s32 $0x6000;
	v31 =	vperm.xlane v17, v1;
	v20 =	vadd.s32 v3, v30  }
0x39e: {  	[tilespmem:s26], [sflag:$0x1] =	stream.indirect_vreg.gather [hbm4b:s4+s2], $0x80, v18, vm0, $0xb8;
	[tilespmem:$0xB000] =	vst v63  }
0x39f: {  	v32 =	vperm.xlane v17, v6;
	v18 =	vadd.s32 v3, v31;
	s26 =	simm.s32 $0x6080  }
0x3a0: {  	[tilespmem:s26], [sflag:$0x1] =	stream.indirect_vreg.gather [hbm4b:s4+s2], $0x80, v19, vm0, $0xb8;
	[tilespmem:$0xB000] =	vst v63  }
0x3a1: {  	v33 =	vperm.xlane v17, v7;
	v19 =	vadd.s32 v3, v32;
	s26 =	simm.s32 $0x6100  }
0x3a2: {  	[tilespmem:s26], [sflag:$0x1] =	stream.indirect_vreg.gather [hbm4b:s4+s2], $0x80, v20, vm0, $0xb8;
	[tilespmem:$0xB000] =	vst v63  }
0x3a3: {  	v35 =	vperm.xlane v17, v8;
	v34 =	vadd.s32 v3, v33;
	s26 =	simm.s32 $0x6180  }
0x3a4: {  	[tilespmem:s26], [sflag:$0x1] =	stream.indirect_vreg.gather [hbm4b:s4+s2], $0x80, v18, vm0, $0xb8;
	[tilespmem:$0xB000] =	vst v63  }
0x3a5: {  	v36 =	vperm.xlane v17, v0;
	v18 =	vadd.s32 v3, v35;
	s26 =	simm.s32 $0x6200  }
0x3a6: {  	[tilespmem:s26], [sflag:$0x1] =	stream.indirect_vreg.gather [hbm4b:s4+s2], $0x80, v19, vm0, $0xb8;
	[tilespmem:$0xB000] =	vst v63  }
0x3a7: {  	v37 =	vperm.xlane v17, v9;
	v19 =	vadd.s32 v3, v36;
	s26 =	simm.s32 $0x6280  }
0x3a8: {  	[tilespmem:s26], [sflag:$0x1] =	stream.indirect_vreg.gather [hbm4b:s4+s2], $0x80, v34, vm0, $0xb8;
	[tilespmem:$0xB000] =	vst v63  }
0x3a9: {  	v39 =	vperm.xlane v17, v10;
	v38 =	vadd.s32 v3, v37;
	s26 =	simm.s32 $0x6300  }
0x3aa: {  	[tilespmem:s26], [sflag:$0x1] =	stream.indirect_vreg.gather [hbm4b:s4+s2], $0x80, v18, vm0, $0xb8;
	[tilespmem:$0xB000] =	vst v63  }
0x3ab: {  	v40 =	vperm.xlane v17, v11;
	v18 =	vadd.s32 v3, v39;
	s26 =	simm.s32 $0x6380  }
0x3ac: {  	[tilespmem:s26], [sflag:$0x1] =	stream.indirect_vreg.gather [hbm4b:s4+s2], $0x80, v19, vm0, $0xb8;
	[tilespmem:$0xB000] =	vst v63  }
0x3ad: {  	v41 =	vperm.xlane v17, v12;
	v19 =	vadd.s32 v3, v40;
	s26 =	simm.s32 $0x6400  }
0x3ae: {  	[tilespmem:s26], [sflag:$0x1] =	stream.indirect_vreg.gather [hbm4b:s4+s2], $0x80, v38, vm0, $0xb8;
	[tilespmem:$0xB000] =	vst v63  }
0x3af: {  	v43 =	vperm.xlane v17, v13;
	v42 =	vadd.s32 v3, v41;
	s26 =	simm.s32 $0x6480  }
0x3b0: {  	[tilespmem:s26], [sflag:$0x1] =	stream.indirect_vreg.gather [hbm4b:s4+s2], $0x80, v18, vm0, $0xb8;
	[tilespmem:$0xB000] =	vst v63  }
0x3b1: {  	v44 =	vperm.xlane v17, v14;
	v18 =	vadd.s32 v3, v43;
	s26 =	simm.s32 $0x6500  }
0x3b2: {  	[tilespmem:s26], [sflag:$0x1] =	stream.indirect_vreg.gather [hbm4b:s4+s2], $0x80, v19, vm0, $0xb8;
	[tilespmem:$0xB000] =	vst v63  }
0x3b3: {  	v45 =	vperm.xlane v17, v15;
	v19 =	vadd.s32 v3, v44;
	s26 =	simm.s32 $0x6580  }
0x3b4: {  	[tilespmem:s26], [sflag:$0x1] =	stream.indirect_vreg.gather [hbm4b:s4+s2], $0x80, v42, vm0, $0xb8;
	[tilespmem:$0xB000] =	vst v63  }
0x3b5: {  	v17 =	vperm.xlane v17, v16;
	v46 =	vadd.s32 v3, v45;
	s26 =	simm.s32 $0x6600  }
0x3b6: {  	[tilespmem:s26], [sflag:$0x1] =	stream.indirect_vreg.gather [hbm4b:s4+s2], $0x80, v18, vm0, $0xb8;
	[tilespmem:$0xB000] =	vst v63  }
0x3b7: {  	v17 =	vadd.s32 v3, v17;
	s26 =	simm.s32 $0x6680  }
0x3b8: {  	[tilespmem:s26], [sflag:$0x1] =	stream.indirect_vreg.gather [hbm4b:s4+s2], $0x80, v19, vm0, $0xb8;
	[tilespmem:$0xB000] =	vst v63  }
0x3b9: {  	s26 =	simm.s32 $0x6700  }
0x3ba: {  	[tilespmem:s26], [sflag:$0x1] =	stream.indirect_vreg.gather [hbm4b:s4+s2], $0x80, v46, vm0, $0xb8;
	[tilespmem:$0xB000] =	vst v63  }
0x3bb: {  	s26 =	simm.s32 $0x6780  }
0x3bc: {  	[tilespmem:s26], [sflag:$0x1] =	stream.indirect_vreg.gather [hbm4b:s4+s2], $0x80, v17, vm0, $0xb8;
	[tilespmem:$0xB000] =	vst v63  }
0x3bd: {  	v17 =	vld [tilespmem:s24+$0x170];
	_ =	sdelay $0x4  }
0x3be: {  	v18 =	vshll.u32 v17, $0x3  }
0x3bf: {  	v17 =	vand.u32 $0x7, v17;
	v18 =	vand.u32 $0xFFFFFFC0, v18  }
0x3c0: {  	v17 =	vor.u32 v17, v18  }
0x3c1: {  	v18 =	vperm.xlane v17, v2;
	_ =	sdelay $0x1  }
0x3c2: {  	v19 =	vperm.xlane v17, v4;
	v18 =	vadd.s32 v3, v18;
	_ =	sdelay $0x1  }
0x3c3: {  	v47 =	vperm.xlane v17, v5;
	v19 =	vadd.s32 v3, v19;
	_ =	sdelay $0x1  }
0x3c4: {  	s24 =	simm.s32 $0x6800;
	v48 =	vperm.xlane v17, v1;
	v20 =	vadd.s32 v3, v47  }
0x3c5: {  	[tilespmem:s24], [sflag:$0x1] =	stream.indirect_vreg.gather [hbm4b:s4+s2], $0x80, v18, vm0, $0xb8;
	[tilespmem:$0xB000] =	vst v63  }
0x3c6: {  	s26 =	simm.s32 $0x6880;
	v49 =	vperm.xlane v17, v6;
	v18 =	vadd.s32 v3, v48  }
0x3c7: {  	[tilespmem:s26], [sflag:$0x1] =	stream.indirect_vreg.gather [hbm4b:s4+s2], $0x80, v19, vm0, $0xb8;
	[tilespmem:$0xB000] =	vst v63  }
0x3c8: {  	v50 =	vperm.xlane v17, v7;
	s24 =	simm.s32 $0x6900;
	v19 =	vadd.s32 v3, v49  }
0x3c9: {  	[tilespmem:s24], [sflag:$0x1] =	stream.indirect_vreg.gather [hbm4b:s4+s2], $0x80, v20, vm0, $0xb8;
	[tilespmem:$0xB000] =	vst v63  }
0x3ca: {  	v52 =	vperm.xlane v17, v8;
	v51 =	vadd.s32 v3, v50;
	s26 =	simm.s32 $0x6980  }
0x3cb: {  	[tilespmem:s26], [sflag:$0x1] =	stream.indirect_vreg.gather [hbm4b:s4+s2], $0x80, v18, vm0, $0xb8;
	[tilespmem:$0xB000] =	vst v63  }
0x3cc: {  	v53 =	vperm.xlane v17, v0;
	s24 =	simm.s32 $0x6A00;
	v18 =	vadd.s32 v3, v52  }
0x3cd: {  	[tilespmem:s24], [sflag:$0x1] =	stream.indirect_vreg.gather [hbm4b:s4+s2], $0x80, v19, vm0, $0xb8;
	[tilespmem:$0xB000] =	vst v63  }
0x3ce: {  	v54 =	vperm.xlane v17, v9;
	s26 =	simm.s32 $0x6A80;
	v19 =	vadd.s32 v3, v53  }
0x3cf: {  	[tilespmem:s26], [sflag:$0x1] =	stream.indirect_vreg.gather [hbm4b:s4+s2], $0x80, v51, vm0, $0xb8;
	[tilespmem:$0xB000] =	vst v63  }
0x3d0: {  	v56 =	vperm.xlane v17, v10;
	v55 =	vadd.s32 v3, v54;
	s24 =	simm.s32 $0x6B00  }
0x3d1: {  	[tilespmem:s24], [sflag:$0x1] =	stream.indirect_vreg.gather [hbm4b:s4+s2], $0x80, v18, vm0, $0xb8;
	[tilespmem:$0xB000] =	vst v63  }
0x3d2: {  	v57 =	vperm.xlane v17, v11;
	s26 =	simm.s32 $0x6B80;
	v18 =	vadd.s32 v3, v56  }
0x3d3: {  	[tilespmem:s26], [sflag:$0x1] =	stream.indirect_vreg.gather [hbm4b:s4+s2], $0x80, v19, vm0, $0xb8;
	[tilespmem:$0xB000] =	vst v63  }
0x3d4: {  	v58 =	vperm.xlane v17, v12;
	s24 =	simm.s32 $0x6C00;
	v19 =	vadd.s32 v3, v57  }
0x3d5: {  	[tilespmem:s24], [sflag:$0x1] =	stream.indirect_vreg.gather [hbm4b:s4+s2], $0x80, v55, vm0, $0xb8;
	[tilespmem:$0xB000] =	vst v63  }
0x3d6: {  	v60 =	vperm.xlane v17, v13;
	v59 =	vadd.s32 v3, v58;
	s26 =	simm.s32 $0x6C80  }
0x3d7: {  	[tilespmem:s26], [sflag:$0x1] =	stream.indirect_vreg.gather [hbm4b:s4+s2], $0x80, v18, vm0, $0xb8;
	[tilespmem:$0xB000] =	vst v63  }
0x3d8: {  	v61 =	vperm.xlane v17, v14;
	s24 =	simm.s32 $0x6D00;
	v18 =	vadd.s32 v3, v60  }
0x3d9: {  	[tilespmem:s24], [sflag:$0x1] =	stream.indirect_vreg.gather [hbm4b:s4+s2], $0x80, v19, vm0, $0xb8;
	[tilespmem:$0xB000] =	vst v63  }
0x3da: {  	v62 =	vperm.xlane v17, v15;
	s26 =	simm.s32 $0x6D80;
	v19 =	vadd.s32 v3, v61  }
0x3db: {  	[tilespmem:s26], [sflag:$0x1] =	stream.indirect_vreg.gather [hbm4b:s4+s2], $0x80, v59, vm0, $0xb8;
	[tilespmem:$0xB000] =	vst v63  }
0x3dc: {  	v17 =	vperm.xlane v17, v16;
	v63 =	vadd.s32 v3, v62;
	s24 =	simm.s32 $0x6E00  }
0x3dd: {  	[tilespmem:s24], [sflag:$0x1] =	stream.indirect_vreg.gather [hbm4b:s4+s2], $0x80, v18, vm0, $0xb8;
	[tilespmem:$0xB000] =	vst v63  }
0x3de: {  	v17 =	vadd.s32 v3, v17;
	s26 =	simm.s32 $0x6E80  }
0x3df: {  	[tilespmem:s26], [sflag:$0x1] =	stream.indirect_vreg.gather [hbm4b:s4+s2], $0x80, v19, vm0, $0xb8;
	[tilespmem:$0xB000] =	vst v63  }
0x3e0: {  	s24 =	simm.s32 $0x6F00  }
0x3e1: {  	[tilespmem:s24], [sflag:$0x1] =	stream.indirect_vreg.gather [hbm4b:s4+s2], $0x80, v63, vm0, $0xb8;
	[tilespmem:$0xB000] =	vst v63  }
0x3e2: {  	s26 =	simm.s32 $0x6F80  }
0x3e3: {  	[tilespmem:s26], [sflag:$0x1] =	stream.indirect_vreg.gather [hbm4b:s4+s2], $0x80, v17, vm0, $0xb8;
	[tilespmem:$0xB000] =	vst v63  }
.LBB2_6:
0x3e4: {  	_ =	swait.ge [sflag:s17], $0x4000  }
0x3e5: {  	[sflag:s17] =	ssyncset.done $0x0  }
0x3e6: {  	s20 =	sadd.s32 $0x0, s19;
	[sflag:s17] =	ssyncadd.s32 $0xFFFFC000  }
0x3e7: {  	[spmem:s20] =	stream.linear.scatter [tilespmem:s18], [sflag:$0x3], $0x1, $0x38;
	[tilespmem:$0xB000] =	vst v63  }
0x3e8: {  	s24 =	simm.s32 $0x4;
	s20 =	smov.u32 s18  }
.LBB2_7:
0x3e9: {  	p1 =	sne.s32 s24, $0x1FC  }
.Ltmp4:
0x3ea: {  	_ = 	snop;
	(pc) =	sbr.rel @p1 .LBB2_7-.Ltmp4, $4  }
0x3eb: {  	_ = 	snop  }
0x3ec: {  	s26 =	sshra.s32 s24, $0x2;
	s24 =	sadd.s32 $0x4, s24  }
0x3ed: {  	s20 =	sadd.s32 $0x80, s20;
	s26 =	sadd.s32 s26, s19  }
0x3ee: {  	[spmem:s26] =	stream.linear.scatter [tilespmem:s20], [sflag:$0x3], $0x1, $0x38;
	[tilespmem:$0xB000] =	vst v63  }
.Ltmp5:
0x3ef: {  	(pc) =	sbr.rel @p0 .LBB2_10-.Ltmp5, $4  }
0x3f0: {  	_ = 	snop  }
0x3f1: {  	_ =	swait.ge [sflag:s11], $0x80  }
0x3f2: {  	[sflag:s11] =	ssyncset.done $0x0  }
0x3f3: {  	[sflag:s11] =	ssyncadd.s32 $0xFFFFFF80  }
0x3f4: {  	s23 =	sshrl.u32 s23, $0x2  }
0x3f5: {  	v17 =	vld [tilespmem:s23+$0x180];
	_ =	sdelay $0x4  }
0x3f6: {  	v18 =	vshll.u32 v17, $0x3  }
0x3f7: {  	v17 =	vand.u32 $0x7, v17;
	v18 =	vand.u32 $0xFFFFFFC0, v18  }
0x3f8: {  	v17 =	vor.u32 v17, v18  }
0x3f9: {  	v18 =	vperm.xlane v17, v2;
	_ =	sdelay $0x1  }
0x3fa: {  	v19 =	vperm.xlane v17, v4;
	v18 =	vadd.s32 v3, v18;
	_ =	sdelay $0x1  }
0x3fb: {  	v20 =	vperm.xlane v17, v5;
	v19 =	vadd.s32 v3, v19;
	_ =	sdelay $0x1  }
0x3fc: {  	s20 =	simm.s32 $0x7000;
	v21 =	vperm.xlane v17, v1;
	v20 =	vadd.s32 v3, v20  }
0x3fd: {  	[tilespmem:s20], [sflag:$0x2] =	stream.indirect_vreg.gather [hbm4b:s4+s2], $0x80, v18, vm0, $0xb8;
	[tilespmem:$0xB000] =	vst v63  }
0x3fe: {  	s24 =	simm.s32 $0x7080;
	v50 =	vperm.xlane v17, v6;
	v18 =	vadd.s32 v3, v21  }
0x3ff: {  	[tilespmem:s24], [sflag:$0x2] =	stream.indirect_vreg.gather [hbm4b:s4+s2], $0x80, v19, vm0, $0xb8;
	[tilespmem:$0xB000] =	vst v63  }
0x400: {  	s26 =	simm.s32 $0x7100;
	v51 =	vperm.xlane v17, v7;
	v19 =	vadd.s32 v3, v50  }
0x401: {  	[tilespmem:s26], [sflag:$0x2] =	stream.indirect_vreg.gather [hbm4b:s4+s2], $0x80, v20, vm0, $0xb8;
	[tilespmem:$0xB000] =	vst v63  }
0x402: {  	v53 =	vperm.xlane v17, v8;
	v52 =	vadd.s32 v3, v51;
	s24 =	simm.s32 $0x7180  }
0x403: {  	[tilespmem:s24], [sflag:$0x2] =	stream.indirect_vreg.gather [hbm4b:s4+s2], $0x80, v18, vm0, $0xb8;
	[tilespmem:$0xB000] =	vst v63  }
0x404: {  	v54 =	vperm.xlane v17, v0;
	s26 =	simm.s32 $0x7200;
	v18 =	vadd.s32 v3, v53  }
0x405: {  	[tilespmem:s26], [sflag:$0x2] =	stream.indirect_vreg.gather [hbm4b:s4+s2], $0x80, v19, vm0, $0xb8;
	[tilespmem:$0xB000] =	vst v63  }
0x406: {  	v55 =	vperm.xlane v17, v9;
	s24 =	simm.s32 $0x7280;
	v19 =	vadd.s32 v3, v54  }
0x407: {  	[tilespmem:s24], [sflag:$0x2] =	stream.indirect_vreg.gather [hbm4b:s4+s2], $0x80, v52, vm0, $0xb8;
	[tilespmem:$0xB000] =	vst v63  }
0x408: {  	v57 =	vperm.xlane v17, v10;
	v56 =	vadd.s32 v3, v55;
	s26 =	simm.s32 $0x7300  }
0x409: {  	[tilespmem:s26], [sflag:$0x2] =	stream.indirect_vreg.gather [hbm4b:s4+s2], $0x80, v18, vm0, $0xb8;
	[tilespmem:$0xB000] =	vst v63  }
0x40a: {  	v58 =	vperm.xlane v17, v11;
	s24 =	simm.s32 $0x7380;
	v18 =	vadd.s32 v3, v57  }
0x40b: {  	[tilespmem:s24], [sflag:$0x2] =	stream.indirect_vreg.gather [hbm4b:s4+s2], $0x80, v19, vm0, $0xb8;
	[tilespmem:$0xB000] =	vst v63  }
0x40c: {  	v59 =	vperm.xlane v17, v12;
	s26 =	simm.s32 $0x7400;
	v19 =	vadd.s32 v3, v58  }
0x40d: {  	[tilespmem:s26], [sflag:$0x2] =	stream.indirect_vreg.gather [hbm4b:s4+s2], $0x80, v56, vm0, $0xb8;
	[tilespmem:$0xB000] =	vst v63  }
0x40e: {  	v61 =	vperm.xlane v17, v13;
	v60 =	vadd.s32 v3, v59;
	s24 =	simm.s32 $0x7480  }
0x40f: {  	[tilespmem:s24], [sflag:$0x2] =	stream.indirect_vreg.gather [hbm4b:s4+s2], $0x80, v18, vm0, $0xb8;
	[tilespmem:$0xB000] =	vst v63  }
0x410: {  	v62 =	vperm.xlane v17, v14;
	s26 =	simm.s32 $0x7500;
	v18 =	vadd.s32 v3, v61  }
0x411: {  	[tilespmem:s26], [sflag:$0x2] =	stream.indirect_vreg.gather [hbm4b:s4+s2], $0x80, v19, vm0, $0xb8;
	[tilespmem:$0xB000] =	vst v63  }
0x412: {  	v63 =	vperm.xlane v17, v15;
	s24 =	simm.s32 $0x7580;
	v19 =	vadd.s32 v3, v62  }
0x413: {  	[tilespmem:s24], [sflag:$0x2] =	stream.indirect_vreg.gather [hbm4b:s4+s2], $0x80, v60, vm0, $0xb8;
	[tilespmem:$0xB000] =	vst v63  }
0x414: {  	v17 =	vperm.xlane v17, v16;
	v24 =	vadd.s32 v3, v63;
	s26 =	simm.s32 $0x7600  }
0x415: {  	[tilespmem:s26], [sflag:$0x2] =	stream.indirect_vreg.gather [hbm4b:s4+s2], $0x80, v18, vm0, $0xb8;
	[tilespmem:$0xB000] =	vst v63  }
0x416: {  	v17 =	vadd.s32 v3, v17;
	s24 =	simm.s32 $0x7680  }
0x417: {  	[tilespmem:s24], [sflag:$0x2] =	stream.indirect_vreg.gather [hbm4b:s4+s2], $0x80, v19, vm0, $0xb8;
	[tilespmem:$0xB000] =	vst v63  }
0x418: {  	s26 =	simm.s32 $0x7700  }
0x419: {  	[tilespmem:s26], [sflag:$0x2] =	stream.indirect_vreg.gather [hbm4b:s4+s2], $0x80, v24, vm0, $0xb8;
	[tilespmem:$0xB000] =	vst v63  }
0x41a: {  	s24 =	simm.s32 $0x7780  }
0x41b: {  	[tilespmem:s24], [sflag:$0x2] =	stream.indirect_vreg.gather [hbm4b:s4+s2], $0x80, v17, vm0, $0xb8;
	[tilespmem:$0xB000] =	vst v63  }
0x41c: {  	v17 =	vld [tilespmem:s23+$0x190];
	_ =	sdelay $0x4  }
0x41d: {  	v18 =	vshll.u32 v17, $0x3  }
0x41e: {  	v17 =	vand.u32 $0x7, v17;
	v18 =	vand.u32 $0xFFFFFFC0, v18  }
0x41f: {  	v17 =	vor.u32 v17, v18  }
0x420: {  	v18 =	vperm.xlane v17, v2;
	_ =	sdelay $0x1  }
0x421: {  	v19 =	vperm.xlane v17, v4;
	v18 =	vadd.s32 v3, v18;
	_ =	sdelay $0x1  }
0x422: {  	v25 =	vperm.xlane v17, v5;
	v19 =	vadd.s32 v3, v19;
	_ =	sdelay $0x1  }
0x423: {  	s26 =	simm.s32 $0x7800;
	v26 =	vperm.xlane v17, v1;
	v20 =	vadd.s32 v3, v25  }
0x424: {  	[tilespmem:s26], [sflag:$0x2] =	stream.indirect_vreg.gather [hbm4b:s4+s2], $0x80, v18, vm0, $0xb8;
	[tilespmem:$0xB000] =	vst v63  }
0x425: {  	s24 =	simm.s32 $0x7880;
	v27 =	vperm.xlane v17, v6;
	v18 =	vadd.s32 v3, v26  }
0x426: {  	[tilespmem:s24], [sflag:$0x2] =	stream.indirect_vreg.gather [hbm4b:s4+s2], $0x80, v19, vm0, $0xb8;
	[tilespmem:$0xB000] =	vst v63  }
0x427: {  	v28 =	vperm.xlane v17, v7;
	s26 =	simm.s32 $0x7900;
	v19 =	vadd.s32 v3, v27  }
0x428: {  	[tilespmem:s26], [sflag:$0x2] =	stream.indirect_vreg.gather [hbm4b:s4+s2], $0x80, v20, vm0, $0xb8;
	[tilespmem:$0xB000] =	vst v63  }
0x429: {  	v30 =	vperm.xlane v17, v8;
	v29 =	vadd.s32 v3, v28;
	s24 =	simm.s32 $0x7980  }
0x42a: {  	[tilespmem:s24], [sflag:$0x2] =	stream.indirect_vreg.gather [hbm4b:s4+s2], $0x80, v18, vm0, $0xb8;
	[tilespmem:$0xB000] =	vst v63  }
0x42b: {  	v31 =	vperm.xlane v17, v0;
	s26 =	simm.s32 $0x7A00;
	v18 =	vadd.s32 v3, v30  }
0x42c: {  	[tilespmem:s26], [sflag:$0x2] =	stream.indirect_vreg.gather [hbm4b:s4+s2], $0x80, v19, vm0, $0xb8;
	[tilespmem:$0xB000] =	vst v63  }
0x42d: {  	v32 =	vperm.xlane v17, v9;
	s24 =	simm.s32 $0x7A80;
	v19 =	vadd.s32 v3, v31  }
0x42e: {  	[tilespmem:s24], [sflag:$0x2] =	stream.indirect_vreg.gather [hbm4b:s4+s2], $0x80, v29, vm0, $0xb8;
	[tilespmem:$0xB000] =	vst v63  }
0x42f: {  	v34 =	vperm.xlane v17, v10;
	v33 =	vadd.s32 v3, v32;
	s26 =	simm.s32 $0x7B00  }
0x430: {  	[tilespmem:s26], [sflag:$0x2] =	stream.indirect_vreg.gather [hbm4b:s4+s2], $0x80, v18, vm0, $0xb8;
	[tilespmem:$0xB000] =	vst v63  }
0x431: {  	v35 =	vperm.xlane v17, v11;
	s24 =	simm.s32 $0x7B80;
	v18 =	vadd.s32 v3, v34  }
0x432: {  	[tilespmem:s24], [sflag:$0x2] =	stream.indirect_vreg.gather [hbm4b:s4+s2], $0x80, v19, vm0, $0xb8;
	[tilespmem:$0xB000] =	vst v63  }
0x433: {  	v36 =	vperm.xlane v17, v12;
	s26 =	simm.s32 $0x7C00;
	v19 =	vadd.s32 v3, v35  }
0x434: {  	[tilespmem:s26], [sflag:$0x2] =	stream.indirect_vreg.gather [hbm4b:s4+s2], $0x80, v33, vm0, $0xb8;
	[tilespmem:$0xB000] =	vst v63  }
0x435: {  	v38 =	vperm.xlane v17, v13;
	v37 =	vadd.s32 v3, v36;
	s24 =	simm.s32 $0x7C80  }
0x436: {  	[tilespmem:s24], [sflag:$0x2] =	stream.indirect_vreg.gather [hbm4b:s4+s2], $0x80, v18, vm0, $0xb8;
	[tilespmem:$0xB000] =	vst v63  }
0x437: {  	v39 =	vperm.xlane v17, v14;
	s26 =	simm.s32 $0x7D00;
	v18 =	vadd.s32 v3, v38  }
0x438: {  	[tilespmem:s26], [sflag:$0x2] =	stream.indirect_vreg.gather [hbm4b:s4+s2], $0x80, v19, vm0, $0xb8;
	[tilespmem:$0xB000] =	vst v63  }
0x439: {  	v40 =	vperm.xlane v17, v15;
	s24 =	simm.s32 $0x7D80;
	v19 =	vadd.s32 v3, v39  }
0x43a: {  	[tilespmem:s24], [sflag:$0x2] =	stream.indirect_vreg.gather [hbm4b:s4+s2], $0x80, v37, vm0, $0xb8;
	[tilespmem:$0xB000] =	vst v63  }
0x43b: {  	v17 =	vperm.xlane v17, v16;
	v41 =	vadd.s32 v3, v40;
	s26 =	simm.s32 $0x7E00  }
0x43c: {  	[tilespmem:s26], [sflag:$0x2] =	stream.indirect_vreg.gather [hbm4b:s4+s2], $0x80, v18, vm0, $0xb8;
	[tilespmem:$0xB000] =	vst v63  }
0x43d: {  	v17 =	vadd.s32 v3, v17;
	s24 =	simm.s32 $0x7E80  }
0x43e: {  	[tilespmem:s24], [sflag:$0x2] =	stream.indirect_vreg.gather [hbm4b:s4+s2], $0x80, v19, vm0, $0xb8;
	[tilespmem:$0xB000] =	vst v63  }
0x43f: {  	s26 =	simm.s32 $0x7F00  }
0x440: {  	[tilespmem:s26], [sflag:$0x2] =	stream.indirect_vreg.gather [hbm4b:s4+s2], $0x80, v41, vm0, $0xb8;
	[tilespmem:$0xB000] =	vst v63  }
0x441: {  	s24 =	simm.s32 $0x7F80  }
0x442: {  	[tilespmem:s24], [sflag:$0x2] =	stream.indirect_vreg.gather [hbm4b:s4+s2], $0x80, v17, vm0, $0xb8;
	[tilespmem:$0xB000] =	vst v63  }
0x443: {  	v17 =	vld [tilespmem:s23+$0x1A0];
	_ =	sdelay $0x4  }
0x444: {  	v18 =	vshll.u32 v17, $0x3  }
0x445: {  	v17 =	vand.u32 $0x7, v17;
	v18 =	vand.u32 $0xFFFFFFC0, v18  }
0x446: {  	v17 =	vor.u32 v17, v18  }
0x447: {  	v18 =	vperm.xlane v17, v2;
	_ =	sdelay $0x1  }
0x448: {  	v19 =	vperm.xlane v17, v4;
	v18 =	vadd.s32 v3, v18;
	_ =	sdelay $0x1  }
0x449: {  	v42 =	vperm.xlane v17, v5;
	v19 =	vadd.s32 v3, v19;
	_ =	sdelay $0x1  }
0x44a: {  	s26 =	simm.s32 $0x8000;
	v43 =	vperm.xlane v17, v1;
	v20 =	vadd.s32 v3, v42  }
0x44b: {  	[tilespmem:s26], [sflag:$0x2] =	stream.indirect_vreg.gather [hbm4b:s4+s2], $0x80, v18, vm0, $0xb8;
	[tilespmem:$0xB000] =	vst v63  }
0x44c: {  	s24 =	simm.s32 $0x8080;
	v44 =	vperm.xlane v17, v6;
	v18 =	vadd.s32 v3, v43  }
0x44d: {  	[tilespmem:s24], [sflag:$0x2] =	stream.indirect_vreg.gather [hbm4b:s4+s2], $0x80, v19, vm0, $0xb8;
	[tilespmem:$0xB000] =	vst v63  }
0x44e: {  	v45 =	vperm.xlane v17, v7;
	s26 =	simm.s32 $0x8100;
	v19 =	vadd.s32 v3, v44  }
0x44f: {  	[tilespmem:s26], [sflag:$0x2] =	stream.indirect_vreg.gather [hbm4b:s4+s2], $0x80, v20, vm0, $0xb8;
	[tilespmem:$0xB000] =	vst v63  }
0x450: {  	v47 =	vperm.xlane v17, v8;
	v46 =	vadd.s32 v3, v45;
	s24 =	simm.s32 $0x8180  }
0x451: {  	[tilespmem:s24], [sflag:$0x2] =	stream.indirect_vreg.gather [hbm4b:s4+s2], $0x80, v18, vm0, $0xb8;
	[tilespmem:$0xB000] =	vst v63  }
0x452: {  	v48 =	vperm.xlane v17, v0;
	s26 =	simm.s32 $0x8200;
	v18 =	vadd.s32 v3, v47  }
0x453: {  	[tilespmem:s26], [sflag:$0x2] =	stream.indirect_vreg.gather [hbm4b:s4+s2], $0x80, v19, vm0, $0xb8;
	[tilespmem:$0xB000] =	vst v63  }
0x454: {  	v49 =	vperm.xlane v17, v9;
	s24 =	simm.s32 $0x8280;
	v19 =	vadd.s32 v3, v48  }
0x455: {  	[tilespmem:s24], [sflag:$0x2] =	stream.indirect_vreg.gather [hbm4b:s4+s2], $0x80, v46, vm0, $0xb8;
	[tilespmem:$0xB000] =	vst v63  }
0x456: {  	v51 =	vperm.xlane v17, v10;
	v50 =	vadd.s32 v3, v49;
	s26 =	simm.s32 $0x8300  }
0x457: {  	[tilespmem:s26], [sflag:$0x2] =	stream.indirect_vreg.gather [hbm4b:s4+s2], $0x80, v18, vm0, $0xb8;
	[tilespmem:$0xB000] =	vst v63  }
0x458: {  	v52 =	vperm.xlane v17, v11;
	s24 =	simm.s32 $0x8380;
	v18 =	vadd.s32 v3, v51  }
0x459: {  	[tilespmem:s24], [sflag:$0x2] =	stream.indirect_vreg.gather [hbm4b:s4+s2], $0x80, v19, vm0, $0xb8;
	[tilespmem:$0xB000] =	vst v63  }
0x45a: {  	v53 =	vperm.xlane v17, v12;
	s26 =	simm.s32 $0x8400;
	v19 =	vadd.s32 v3, v52  }
0x45b: {  	[tilespmem:s26], [sflag:$0x2] =	stream.indirect_vreg.gather [hbm4b:s4+s2], $0x80, v50, vm0, $0xb8;
	[tilespmem:$0xB000] =	vst v63  }
0x45c: {  	v55 =	vperm.xlane v17, v13;
	v54 =	vadd.s32 v3, v53;
	s24 =	simm.s32 $0x8480  }
0x45d: {  	[tilespmem:s24], [sflag:$0x2] =	stream.indirect_vreg.gather [hbm4b:s4+s2], $0x80, v18, vm0, $0xb8;
	[tilespmem:$0xB000] =	vst v63  }
0x45e: {  	v56 =	vperm.xlane v17, v14;
	s26 =	simm.s32 $0x8500;
	v18 =	vadd.s32 v3, v55  }
0x45f: {  	[tilespmem:s26], [sflag:$0x2] =	stream.indirect_vreg.gather [hbm4b:s4+s2], $0x80, v19, vm0, $0xb8;
	[tilespmem:$0xB000] =	vst v63  }
0x460: {  	v57 =	vperm.xlane v17, v15;
	s24 =	simm.s32 $0x8580;
	v19 =	vadd.s32 v3, v56  }
0x461: {  	[tilespmem:s24], [sflag:$0x2] =	stream.indirect_vreg.gather [hbm4b:s4+s2], $0x80, v54, vm0, $0xb8;
	[tilespmem:$0xB000] =	vst v63  }
0x462: {  	v17 =	vperm.xlane v17, v16;
	v58 =	vadd.s32 v3, v57;
	s26 =	simm.s32 $0x8600  }
0x463: {  	[tilespmem:s26], [sflag:$0x2] =	stream.indirect_vreg.gather [hbm4b:s4+s2], $0x80, v18, vm0, $0xb8;
	[tilespmem:$0xB000] =	vst v63  }
0x464: {  	v17 =	vadd.s32 v3, v17;
	s24 =	simm.s32 $0x8680  }
0x465: {  	[tilespmem:s24], [sflag:$0x2] =	stream.indirect_vreg.gather [hbm4b:s4+s2], $0x80, v19, vm0, $0xb8;
	[tilespmem:$0xB000] =	vst v63  }
0x466: {  	s26 =	simm.s32 $0x8700  }
0x467: {  	[tilespmem:s26], [sflag:$0x2] =	stream.indirect_vreg.gather [hbm4b:s4+s2], $0x80, v58, vm0, $0xb8;
	[tilespmem:$0xB000] =	vst v63  }
0x468: {  	s24 =	simm.s32 $0x8780  }
0x469: {  	[tilespmem:s24], [sflag:$0x2] =	stream.indirect_vreg.gather [hbm4b:s4+s2], $0x80, v17, vm0, $0xb8;
	[tilespmem:$0xB000] =	vst v63  }
0x46a: {  	v17 =	vld [tilespmem:s23+$0x1B0];
	_ =	sdelay $0x4  }
0x46b: {  	v18 =	vshll.u32 v17, $0x3  }
0x46c: {  	v17 =	vand.u32 $0x7, v17;
	v18 =	vand.u32 $0xFFFFFFC0, v18  }
0x46d: {  	v17 =	vor.u32 v17, v18  }
0x46e: {  	v18 =	vperm.xlane v17, v2;
	_ =	sdelay $0x1  }
0x46f: {  	v19 =	vperm.xlane v17, v4;
	v18 =	vadd.s32 v3, v18;
	_ =	sdelay $0x1  }
0x470: {  	v59 =	vperm.xlane v17, v5;
	v19 =	vadd.s32 v3, v19;
	_ =	sdelay $0x1  }
0x471: {  	s26 =	simm.s32 $0x8800;
	v60 =	vperm.xlane v17, v1;
	v20 =	vadd.s32 v3, v59  }
0x472: {  	[tilespmem:s26], [sflag:$0x2] =	stream.indirect_vreg.gather [hbm4b:s4+s2], $0x80, v18, vm0, $0xb8;
	[tilespmem:$0xB000] =	vst v63  }
0x473: {  	s24 =	simm.s32 $0x8880;
	v61 =	vperm.xlane v17, v6;
	v18 =	vadd.s32 v3, v60  }
0x474: {  	[tilespmem:s24], [sflag:$0x2] =	stream.indirect_vreg.gather [hbm4b:s4+s2], $0x80, v19, vm0, $0xb8;
	[tilespmem:$0xB000] =	vst v63  }
0x475: {  	v62 =	vperm.xlane v17, v7;
	s26 =	simm.s32 $0x8900;
	v19 =	vadd.s32 v3, v61  }
0x476: {  	[tilespmem:s26], [sflag:$0x2] =	stream.indirect_vreg.gather [hbm4b:s4+s2], $0x80, v20, vm0, $0xb8;
	[tilespmem:$0xB000] =	vst v63  }
0x477: {  	v24 =	vperm.xlane v17, v8;
	v63 =	vadd.s32 v3, v62;
	s24 =	simm.s32 $0x8980  }
0x478: {  	[tilespmem:s24], [sflag:$0x2] =	stream.indirect_vreg.gather [hbm4b:s4+s2], $0x80, v18, vm0, $0xb8;
	[tilespmem:$0xB000] =	vst v63  }
0x479: {  	v25 =	vperm.xlane v17, v0;
	s26 =	simm.s32 $0x8A00;
	v18 =	vadd.s32 v3, v24  }
0x47a: {  	[tilespmem:s26], [sflag:$0x2] =	stream.indirect_vreg.gather [hbm4b:s4+s2], $0x80, v19, vm0, $0xb8;
	[tilespmem:$0xB000] =	vst v63  }
0x47b: {  	v26 =	vperm.xlane v17, v9;
	s24 =	simm.s32 $0x8A80;
	v19 =	vadd.s32 v3, v25  }
0x47c: {  	[tilespmem:s24], [sflag:$0x2] =	stream.indirect_vreg.gather [hbm4b:s4+s2], $0x80, v63, vm0, $0xb8;
	[tilespmem:$0xB000] =	vst v63  }
0x47d: {  	v28 =	vperm.xlane v17, v10;
	v27 =	vadd.s32 v3, v26;
	s26 =	simm.s32 $0x8B00  }
0x47e: {  	[tilespmem:s26], [sflag:$0x2] =	stream.indirect_vreg.gather [hbm4b:s4+s2], $0x80, v18, vm0, $0xb8;
	[tilespmem:$0xB000] =	vst v63  }
0x47f: {  	v29 =	vperm.xlane v17, v11;
	s24 =	simm.s32 $0x8B80;
	v18 =	vadd.s32 v3, v28  }
0x480: {  	[tilespmem:s24], [sflag:$0x2] =	stream.indirect_vreg.gather [hbm4b:s4+s2], $0x80, v19, vm0, $0xb8;
	[tilespmem:$0xB000] =	vst v63  }
0x481: {  	v30 =	vperm.xlane v17, v12;
	s26 =	simm.s32 $0x8C00;
	v19 =	vadd.s32 v3, v29  }
0x482: {  	[tilespmem:s26], [sflag:$0x2] =	stream.indirect_vreg.gather [hbm4b:s4+s2], $0x80, v27, vm0, $0xb8;
	[tilespmem:$0xB000] =	vst v63  }
0x483: {  	v32 =	vperm.xlane v17, v13;
	v31 =	vadd.s32 v3, v30;
	s24 =	simm.s32 $0x8C80  }
0x484: {  	[tilespmem:s24], [sflag:$0x2] =	stream.indirect_vreg.gather [hbm4b:s4+s2], $0x80, v18, vm0, $0xb8;
	[tilespmem:$0xB000] =	vst v63  }
0x485: {  	v33 =	vperm.xlane v17, v14;
	s26 =	simm.s32 $0x8D00;
	v18 =	vadd.s32 v3, v32  }
0x486: {  	[tilespmem:s26], [sflag:$0x2] =	stream.indirect_vreg.gather [hbm4b:s4+s2], $0x80, v19, vm0, $0xb8;
	[tilespmem:$0xB000] =	vst v63  }
0x487: {  	v34 =	vperm.xlane v17, v15;
	s24 =	simm.s32 $0x8D80;
	v19 =	vadd.s32 v3, v33  }
0x488: {  	[tilespmem:s24], [sflag:$0x2] =	stream.indirect_vreg.gather [hbm4b:s4+s2], $0x80, v31, vm0, $0xb8;
	[tilespmem:$0xB000] =	vst v63  }
0x489: {  	v17 =	vperm.xlane v17, v16;
	v35 =	vadd.s32 v3, v34;
	s26 =	simm.s32 $0x8E00  }
0x48a: {  	[tilespmem:s26], [sflag:$0x2] =	stream.indirect_vreg.gather [hbm4b:s4+s2], $0x80, v18, vm0, $0xb8;
	[tilespmem:$0xB000] =	vst v63  }
0x48b: {  	v17 =	vadd.s32 v3, v17;
	s24 =	simm.s32 $0x8E80  }
0x48c: {  	[tilespmem:s24], [sflag:$0x2] =	stream.indirect_vreg.gather [hbm4b:s4+s2], $0x80, v19, vm0, $0xb8;
	[tilespmem:$0xB000] =	vst v63  }
0x48d: {  	s26 =	simm.s32 $0x8F00  }
0x48e: {  	[tilespmem:s26], [sflag:$0x2] =	stream.indirect_vreg.gather [hbm4b:s4+s2], $0x80, v35, vm0, $0xb8;
	[tilespmem:$0xB000] =	vst v63  }
0x48f: {  	s24 =	simm.s32 $0x8F80  }
0x490: {  	[tilespmem:s24], [sflag:$0x2] =	stream.indirect_vreg.gather [hbm4b:s4+s2], $0x80, v17, vm0, $0xb8;
	[tilespmem:$0xB000] =	vst v63  }
0x491: {  	v17 =	vld [tilespmem:s23+$0x1C0];
	_ =	sdelay $0x4  }
0x492: {  	v18 =	vshll.u32 v17, $0x3  }
0x493: {  	v17 =	vand.u32 $0x7, v17;
	v18 =	vand.u32 $0xFFFFFFC0, v18  }
0x494: {  	v17 =	vor.u32 v17, v18  }
0x495: {  	v18 =	vperm.xlane v17, v2;
	_ =	sdelay $0x1  }
0x496: {  	v19 =	vperm.xlane v17, v4;
	v18 =	vadd.s32 v3, v18;
	_ =	sdelay $0x1  }
0x497: {  	v36 =	vperm.xlane v17, v5;
	v19 =	vadd.s32 v3, v19;
	_ =	sdelay $0x1  }
0x498: {  	s26 =	simm.s32 $0x9000;
	v37 =	vperm.xlane v17, v1;
	v20 =	vadd.s32 v3, v36  }
0x499: {  	[tilespmem:s26], [sflag:$0x2] =	stream.indirect_vreg.gather [hbm4b:s4+s2], $0x80, v18, vm0, $0xb8;
	[tilespmem:$0xB000] =	vst v63  }
0x49a: {  	s24 =	simm.s32 $0x9080;
	v38 =	vperm.xlane v17, v6;
	v18 =	vadd.s32 v3, v37  }
0x49b: {  	[tilespmem:s24], [sflag:$0x2] =	stream.indirect_vreg.gather [hbm4b:s4+s2], $0x80, v19, vm0, $0xb8;
	[tilespmem:$0xB000] =	vst v63  }
0x49c: {  	v39 =	vperm.xlane v17, v7;
	s26 =	simm.s32 $0x9100;
	v19 =	vadd.s32 v3, v38  }
0x49d: {  	[tilespmem:s26], [sflag:$0x2] =	stream.indirect_vreg.gather [hbm4b:s4+s2], $0x80, v20, vm0, $0xb8;
	[tilespmem:$0xB000] =	vst v63  }
0x49e: {  	v41 =	vperm.xlane v17, v8;
	v40 =	vadd.s32 v3, v39;
	s24 =	simm.s32 $0x9180  }
0x49f: {  	[tilespmem:s24], [sflag:$0x2] =	stream.indirect_vreg.gather [hbm4b:s4+s2], $0x80, v18, vm0, $0xb8;
	[tilespmem:$0xB000] =	vst v63  }
0x4a0: {  	v42 =	vperm.xlane v17, v0;
	s26 =	simm.s32 $0x9200;
	v18 =	vadd.s32 v3, v41  }
0x4a1: {  	[tilespmem:s26], [sflag:$0x2] =	stream.indirect_vreg.gather [hbm4b:s4+s2], $0x80, v19, vm0, $0xb8;
	[tilespmem:$0xB000] =	vst v63  }
0x4a2: {  	v43 =	vperm.xlane v17, v9;
	s24 =	simm.s32 $0x9280;
	v19 =	vadd.s32 v3, v42  }
0x4a3: {  	[tilespmem:s24], [sflag:$0x2] =	stream.indirect_vreg.gather [hbm4b:s4+s2], $0x80, v40, vm0, $0xb8;
	[tilespmem:$0xB000] =	vst v63  }
0x4a4: {  	v45 =	vperm.xlane v17, v10;
	v44 =	vadd.s32 v3, v43;
	s26 =	simm.s32 $0x9300  }
0x4a5: {  	[tilespmem:s26], [sflag:$0x2] =	stream.indirect_vreg.gather [hbm4b:s4+s2], $0x80, v18, vm0, $0xb8;
	[tilespmem:$0xB000] =	vst v63  }
0x4a6: {  	v46 =	vperm.xlane v17, v11;
	s24 =	simm.s32 $0x9380;
	v18 =	vadd.s32 v3, v45  }
0x4a7: {  	[tilespmem:s24], [sflag:$0x2] =	stream.indirect_vreg.gather [hbm4b:s4+s2], $0x80, v19, vm0, $0xb8;
	[tilespmem:$0xB000] =	vst v63  }
0x4a8: {  	v47 =	vperm.xlane v17, v12;
	s26 =	simm.s32 $0x9400;
	v19 =	vadd.s32 v3, v46  }
0x4a9: {  	[tilespmem:s26], [sflag:$0x2] =	stream.indirect_vreg.gather [hbm4b:s4+s2], $0x80, v44, vm0, $0xb8;
	[tilespmem:$0xB000] =	vst v63  }
0x4aa: {  	v49 =	vperm.xlane v17, v13;
	v48 =	vadd.s32 v3, v47;
	s24 =	simm.s32 $0x9480  }
0x4ab: {  	[tilespmem:s24], [sflag:$0x2] =	stream.indirect_vreg.gather [hbm4b:s4+s2], $0x80, v18, vm0, $0xb8;
	[tilespmem:$0xB000] =	vst v63  }
0x4ac: {  	v50 =	vperm.xlane v17, v14;
	s26 =	simm.s32 $0x9500;
	v18 =	vadd.s32 v3, v49  }
0x4ad: {  	[tilespmem:s26], [sflag:$0x2] =	stream.indirect_vreg.gather [hbm4b:s4+s2], $0x80, v19, vm0, $0xb8;
	[tilespmem:$0xB000] =	vst v63  }
0x4ae: {  	v51 =	vperm.xlane v17, v15;
	s24 =	simm.s32 $0x9580;
	v19 =	vadd.s32 v3, v50  }
0x4af: {  	[tilespmem:s24], [sflag:$0x2] =	stream.indirect_vreg.gather [hbm4b:s4+s2], $0x80, v48, vm0, $0xb8;
	[tilespmem:$0xB000] =	vst v63  }
0x4b0: {  	v17 =	vperm.xlane v17, v16;
	v52 =	vadd.s32 v3, v51;
	s26 =	simm.s32 $0x9600  }
0x4b1: {  	[tilespmem:s26], [sflag:$0x2] =	stream.indirect_vreg.gather [hbm4b:s4+s2], $0x80, v18, vm0, $0xb8;
	[tilespmem:$0xB000] =	vst v63  }
0x4b2: {  	v17 =	vadd.s32 v3, v17;
	s24 =	simm.s32 $0x9680  }
0x4b3: {  	[tilespmem:s24], [sflag:$0x2] =	stream.indirect_vreg.gather [hbm4b:s4+s2], $0x80, v19, vm0, $0xb8;
	[tilespmem:$0xB000] =	vst v63  }
0x4b4: {  	s26 =	simm.s32 $0x9700  }
0x4b5: {  	[tilespmem:s26], [sflag:$0x2] =	stream.indirect_vreg.gather [hbm4b:s4+s2], $0x80, v52, vm0, $0xb8;
	[tilespmem:$0xB000] =	vst v63  }
0x4b6: {  	s24 =	simm.s32 $0x9780  }
0x4b7: {  	[tilespmem:s24], [sflag:$0x2] =	stream.indirect_vreg.gather [hbm4b:s4+s2], $0x80, v17, vm0, $0xb8;
	[tilespmem:$0xB000] =	vst v63  }
0x4b8: {  	v17 =	vld [tilespmem:s23+$0x1D0];
	_ =	sdelay $0x4  }
0x4b9: {  	v18 =	vshll.u32 v17, $0x3  }
0x4ba: {  	v17 =	vand.u32 $0x7, v17;
	v18 =	vand.u32 $0xFFFFFFC0, v18  }
0x4bb: {  	v17 =	vor.u32 v17, v18  }
0x4bc: {  	v18 =	vperm.xlane v17, v2;
	_ =	sdelay $0x1  }
0x4bd: {  	v19 =	vperm.xlane v17, v4;
	v18 =	vadd.s32 v3, v18;
	_ =	sdelay $0x1  }
0x4be: {  	v53 =	vperm.xlane v17, v5;
	v19 =	vadd.s32 v3, v19;
	_ =	sdelay $0x1  }
0x4bf: {  	s26 =	simm.s32 $0x9800;
	v54 =	vperm.xlane v17, v1;
	v20 =	vadd.s32 v3, v53  }
0x4c0: {  	[tilespmem:s26], [sflag:$0x2] =	stream.indirect_vreg.gather [hbm4b:s4+s2], $0x80, v18, vm0, $0xb8;
	[tilespmem:$0xB000] =	vst v63  }
0x4c1: {  	s24 =	simm.s32 $0x9880;
	v55 =	vperm.xlane v17, v6;
	v18 =	vadd.s32 v3, v54  }
0x4c2: {  	[tilespmem:s24], [sflag:$0x2] =	stream.indirect_vreg.gather [hbm4b:s4+s2], $0x80, v19, vm0, $0xb8;
	[tilespmem:$0xB000] =	vst v63  }
0x4c3: {  	v56 =	vperm.xlane v17, v7;
	s26 =	simm.s32 $0x9900;
	v19 =	vadd.s32 v3, v55  }
0x4c4: {  	[tilespmem:s26], [sflag:$0x2] =	stream.indirect_vreg.gather [hbm4b:s4+s2], $0x80, v20, vm0, $0xb8;
	[tilespmem:$0xB000] =	vst v63  }
0x4c5: {  	v58 =	vperm.xlane v17, v8;
	v57 =	vadd.s32 v3, v56;
	s24 =	simm.s32 $0x9980  }
0x4c6: {  	[tilespmem:s24], [sflag:$0x2] =	stream.indirect_vreg.gather [hbm4b:s4+s2], $0x80, v18, vm0, $0xb8;
	[tilespmem:$0xB000] =	vst v63  }
0x4c7: {  	v59 =	vperm.xlane v17, v0;
	s26 =	simm.s32 $0x9A00;
	v18 =	vadd.s32 v3, v58  }
0x4c8: {  	[tilespmem:s26], [sflag:$0x2] =	stream.indirect_vreg.gather [hbm4b:s4+s2], $0x80, v19, vm0, $0xb8;
	[tilespmem:$0xB000] =	vst v63  }
0x4c9: {  	v60 =	vperm.xlane v17, v9;
	s24 =	simm.s32 $0x9A80;
	v19 =	vadd.s32 v3, v59  }
0x4ca: {  	[tilespmem:s24], [sflag:$0x2] =	stream.indirect_vreg.gather [hbm4b:s4+s2], $0x80, v57, vm0, $0xb8;
	[tilespmem:$0xB000] =	vst v63  }
0x4cb: {  	v62 =	vperm.xlane v17, v10;
	v61 =	vadd.s32 v3, v60;
	s26 =	simm.s32 $0x9B00  }
0x4cc: {  	[tilespmem:s26], [sflag:$0x2] =	stream.indirect_vreg.gather [hbm4b:s4+s2], $0x80, v18, vm0, $0xb8;
	[tilespmem:$0xB000] =	vst v63  }
0x4cd: {  	v63 =	vperm.xlane v17, v11;
	s24 =	simm.s32 $0x9B80;
	v18 =	vadd.s32 v3, v62  }
0x4ce: {  	[tilespmem:s24], [sflag:$0x2] =	stream.indirect_vreg.gather [hbm4b:s4+s2], $0x80, v19, vm0, $0xb8;
	[tilespmem:$0xB000] =	vst v63  }
0x4cf: {  	v24 =	vperm.xlane v17, v12;
	s26 =	simm.s32 $0x9C00;
	v19 =	vadd.s32 v3, v63  }
0x4d0: {  	[tilespmem:s26], [sflag:$0x2] =	stream.indirect_vreg.gather [hbm4b:s4+s2], $0x80, v61, vm0, $0xb8;
	[tilespmem:$0xB000] =	vst v63  }
0x4d1: {  	v26 =	vperm.xlane v17, v13;
	v25 =	vadd.s32 v3, v24;
	s24 =	simm.s32 $0x9C80  }
0x4d2: {  	[tilespmem:s24], [sflag:$0x2] =	stream.indirect_vreg.gather [hbm4b:s4+s2], $0x80, v18, vm0, $0xb8;
	[tilespmem:$0xB000] =	vst v63  }
0x4d3: {  	v27 =	vperm.xlane v17, v14;
	s26 =	simm.s32 $0x9D00;
	v18 =	vadd.s32 v3, v26  }
0x4d4: {  	[tilespmem:s26], [sflag:$0x2] =	stream.indirect_vreg.gather [hbm4b:s4+s2], $0x80, v19, vm0, $0xb8;
	[tilespmem:$0xB000] =	vst v63  }
0x4d5: {  	v28 =	vperm.xlane v17, v15;
	s24 =	simm.s32 $0x9D80;
	v19 =	vadd.s32 v3, v27  }
0x4d6: {  	[tilespmem:s24], [sflag:$0x2] =	stream.indirect_vreg.gather [hbm4b:s4+s2], $0x80, v25, vm0, $0xb8;
	[tilespmem:$0xB000] =	vst v63  }
0x4d7: {  	v17 =	vperm.xlane v17, v16;
	v29 =	vadd.s32 v3, v28;
	s26 =	simm.s32 $0x9E00  }
0x4d8: {  	[tilespmem:s26], [sflag:$0x2] =	stream.indirect_vreg.gather [hbm4b:s4+s2], $0x80, v18, vm0, $0xb8;
	[tilespmem:$0xB000] =	vst v63  }
0x4d9: {  	v17 =	vadd.s32 v3, v17;
	s24 =	simm.s32 $0x9E80  }
0x4da: {  	[tilespmem:s24], [sflag:$0x2] =	stream.indirect_vreg.gather [hbm4b:s4+s2], $0x80, v19, vm0, $0xb8;
	[tilespmem:$0xB000] =	vst v63  }
0x4db: {  	s26 =	simm.s32 $0x9F00  }
0x4dc: {  	[tilespmem:s26], [sflag:$0x2] =	stream.indirect_vreg.gather [hbm4b:s4+s2], $0x80, v29, vm0, $0xb8;
	[tilespmem:$0xB000] =	vst v63  }
0x4dd: {  	s24 =	simm.s32 $0x9F80  }
0x4de: {  	[tilespmem:s24], [sflag:$0x2] =	stream.indirect_vreg.gather [hbm4b:s4+s2], $0x80, v17, vm0, $0xb8;
	[tilespmem:$0xB000] =	vst v63  }
0x4df: {  	v17 =	vld [tilespmem:s23+$0x1E0];
	_ =	sdelay $0x4  }
0x4e0: {  	v18 =	vshll.u32 v17, $0x3  }
0x4e1: {  	v17 =	vand.u32 $0x7, v17;
	v18 =	vand.u32 $0xFFFFFFC0, v18  }
0x4e2: {  	v17 =	vor.u32 v17, v18  }
0x4e3: {  	v18 =	vperm.xlane v17, v2;
	_ =	sdelay $0x1  }
0x4e4: {  	v19 =	vperm.xlane v17, v4;
	v18 =	vadd.s32 v3, v18;
	_ =	sdelay $0x1  }
0x4e5: {  	v30 =	vperm.xlane v17, v5;
	v19 =	vadd.s32 v3, v19;
	_ =	sdelay $0x1  }
0x4e6: {  	s26 =	simm.s32 $0xA000;
	v31 =	vperm.xlane v17, v1;
	v20 =	vadd.s32 v3, v30  }
0x4e7: {  	[tilespmem:s26], [sflag:$0x2] =	stream.indirect_vreg.gather [hbm4b:s4+s2], $0x80, v18, vm0, $0xb8;
	[tilespmem:$0xB000] =	vst v63  }
0x4e8: {  	s24 =	simm.s32 $0xA080;
	v32 =	vperm.xlane v17, v6;
	v18 =	vadd.s32 v3, v31  }
0x4e9: {  	[tilespmem:s24], [sflag:$0x2] =	stream.indirect_vreg.gather [hbm4b:s4+s2], $0x80, v19, vm0, $0xb8;
	[tilespmem:$0xB000] =	vst v63  }
0x4ea: {  	v33 =	vperm.xlane v17, v7;
	s26 =	simm.s32 $0xA100;
	v19 =	vadd.s32 v3, v32  }
0x4eb: {  	[tilespmem:s26], [sflag:$0x2] =	stream.indirect_vreg.gather [hbm4b:s4+s2], $0x80, v20, vm0, $0xb8;
	[tilespmem:$0xB000] =	vst v63  }
0x4ec: {  	v35 =	vperm.xlane v17, v8;
	v34 =	vadd.s32 v3, v33;
	s24 =	simm.s32 $0xA180  }
0x4ed: {  	[tilespmem:s24], [sflag:$0x2] =	stream.indirect_vreg.gather [hbm4b:s4+s2], $0x80, v18, vm0, $0xb8;
	[tilespmem:$0xB000] =	vst v63  }
0x4ee: {  	v36 =	vperm.xlane v17, v0;
	s26 =	simm.s32 $0xA200;
	v18 =	vadd.s32 v3, v35  }
0x4ef: {  	[tilespmem:s26], [sflag:$0x2] =	stream.indirect_vreg.gather [hbm4b:s4+s2], $0x80, v19, vm0, $0xb8;
	[tilespmem:$0xB000] =	vst v63  }
0x4f0: {  	v37 =	vperm.xlane v17, v9;
	s24 =	simm.s32 $0xA280;
	v19 =	vadd.s32 v3, v36  }
0x4f1: {  	[tilespmem:s24], [sflag:$0x2] =	stream.indirect_vreg.gather [hbm4b:s4+s2], $0x80, v34, vm0, $0xb8;
	[tilespmem:$0xB000] =	vst v63  }
0x4f2: {  	v39 =	vperm.xlane v17, v10;
	v38 =	vadd.s32 v3, v37;
	s26 =	simm.s32 $0xA300  }
0x4f3: {  	[tilespmem:s26], [sflag:$0x2] =	stream.indirect_vreg.gather [hbm4b:s4+s2], $0x80, v18, vm0, $0xb8;
	[tilespmem:$0xB000] =	vst v63  }
0x4f4: {  	v40 =	vperm.xlane v17, v11;
	s24 =	simm.s32 $0xA380;
	v18 =	vadd.s32 v3, v39  }
0x4f5: {  	[tilespmem:s24], [sflag:$0x2] =	stream.indirect_vreg.gather [hbm4b:s4+s2], $0x80, v19, vm0, $0xb8;
	[tilespmem:$0xB000] =	vst v63  }
0x4f6: {  	v41 =	vperm.xlane v17, v12;
	s26 =	simm.s32 $0xA400;
	v19 =	vadd.s32 v3, v40  }
0x4f7: {  	[tilespmem:s26], [sflag:$0x2] =	stream.indirect_vreg.gather [hbm4b:s4+s2], $0x80, v38, vm0, $0xb8;
	[tilespmem:$0xB000] =	vst v63  }
0x4f8: {  	v43 =	vperm.xlane v17, v13;
	v42 =	vadd.s32 v3, v41;
	s24 =	simm.s32 $0xA480  }
0x4f9: {  	[tilespmem:s24], [sflag:$0x2] =	stream.indirect_vreg.gather [hbm4b:s4+s2], $0x80, v18, vm0, $0xb8;
	[tilespmem:$0xB000] =	vst v63  }
0x4fa: {  	v44 =	vperm.xlane v17, v14;
	s26 =	simm.s32 $0xA500;
	v18 =	vadd.s32 v3, v43  }
0x4fb: {  	[tilespmem:s26], [sflag:$0x2] =	stream.indirect_vreg.gather [hbm4b:s4+s2], $0x80, v19, vm0, $0xb8;
	[tilespmem:$0xB000] =	vst v63  }
0x4fc: {  	v45 =	vperm.xlane v17, v15;
	s24 =	simm.s32 $0xA580;
	v19 =	vadd.s32 v3, v44  }
0x4fd: {  	[tilespmem:s24], [sflag:$0x2] =	stream.indirect_vreg.gather [hbm4b:s4+s2], $0x80, v42, vm0, $0xb8;
	[tilespmem:$0xB000] =	vst v63  }
0x4fe: {  	v17 =	vperm.xlane v17, v16;
	v46 =	vadd.s32 v3, v45;
	s26 =	simm.s32 $0xA600  }
0x4ff: {  	[tilespmem:s26], [sflag:$0x2] =	stream.indirect_vreg.gather [hbm4b:s4+s2], $0x80, v18, vm0, $0xb8;
	[tilespmem:$0xB000] =	vst v63  }
0x500: {  	v17 =	vadd.s32 v3, v17;
	s24 =	simm.s32 $0xA680  }
0x501: {  	[tilespmem:s24], [sflag:$0x2] =	stream.indirect_vreg.gather [hbm4b:s4+s2], $0x80, v19, vm0, $0xb8;
	[tilespmem:$0xB000] =	vst v63  }
0x502: {  	s26 =	simm.s32 $0xA700  }
0x503: {  	[tilespmem:s26], [sflag:$0x2] =	stream.indirect_vreg.gather [hbm4b:s4+s2], $0x80, v46, vm0, $0xb8;
	[tilespmem:$0xB000] =	vst v63  }
0x504: {  	_ = 	snop  }
0x505: {  	[tilespmem:s28], [sflag:$0x2] =	stream.indirect_vreg.gather [hbm4b:s4+s2], $0x80, v17, vm0, $0xb8;
	[tilespmem:$0xB000] =	vst v63  }
0x506: {  	v17 =	vld [tilespmem:s23+$0x1F0];
	_ =	sdelay $0x4  }
0x507: {  	v18 =	vshll.u32 v17, $0x3  }
0x508: {  	v17 =	vand.u32 $0x7, v17;
	v18 =	vand.u32 $0xFFFFFFC0, v18  }
0x509: {  	v17 =	vor.u32 v17, v18  }
0x50a: {  	v18 =	vperm.xlane v17, v2;
	_ =	sdelay $0x1  }
0x50b: {  	v19 =	vperm.xlane v17, v4;
	v18 =	vadd.s32 v3, v18;
	_ =	sdelay $0x1  }
0x50c: {  	v47 =	vperm.xlane v17, v5;
	v19 =	vadd.s32 v3, v19;
	_ =	sdelay $0x1  }
0x50d: {  	v48 =	vperm.xlane v17, v1;
	v20 =	vadd.s32 v3, v47  }
0x50e: {  	[tilespmem:s29], [sflag:$0x2] =	stream.indirect_vreg.gather [hbm4b:s4+s2], $0x80, v18, vm0, $0xb8;
	[tilespmem:$0xB000] =	vst v63  }
0x50f: {  	v49 =	vperm.xlane v17, v6;
	v18 =	vadd.s32 v3, v48  }
0x510: {  	[tilespmem:s30], [sflag:$0x2] =	stream.indirect_vreg.gather [hbm4b:s4+s2], $0x80, v19, vm0, $0xb8;
	[tilespmem:$0xB000] =	vst v63  }
0x511: {  	v50 =	vperm.xlane v17, v7;
	v19 =	vadd.s32 v3, v49  }
0x512: {  	[tilespmem:s31], [sflag:$0x2] =	stream.indirect_vreg.gather [hbm4b:s4+s2], $0x80, v20, vm0, $0xb8;
	[tilespmem:$0xB000] =	vst v63  }
0x513: {  	v52 =	vperm.xlane v17, v8;
	v51 =	vadd.s32 v3, v50  }
0x514: {  	[tilespmem:s0], [sflag:$0x2] =	stream.indirect_vreg.gather [hbm4b:s4+s2], $0x80, v18, vm0, $0xb8;
	[tilespmem:$0xB000] =	vst v63  }
0x515: {  	v53 =	vperm.xlane v17, v0;
	v18 =	vadd.s32 v3, v52  }
0x516: {  	[tilespmem:s5], [sflag:$0x2] =	stream.indirect_vreg.gather [hbm4b:s4+s2], $0x80, v19, vm0, $0xb8;
	[tilespmem:$0xB000] =	vst v63  }
0x517: {  	v54 =	vperm.xlane v17, v9;
	v19 =	vadd.s32 v3, v53  }
0x518: {  	[tilespmem:s8], [sflag:$0x2] =	stream.indirect_vreg.gather [hbm4b:s4+s2], $0x80, v51, vm0, $0xb8;
	[tilespmem:$0xB000] =	vst v63  }
0x519: {  	v56 =	vperm.xlane v17, v10;
	v55 =	vadd.s32 v3, v54  }
0x51a: {  	[tilespmem:s10], [sflag:$0x2] =	stream.indirect_vreg.gather [hbm4b:s4+s2], $0x80, v18, vm0, $0xb8;
	[tilespmem:$0xB000] =	vst v63  }
0x51b: {  	v57 =	vperm.xlane v17, v11;
	v18 =	vadd.s32 v3, v56  }
0x51c: {  	[tilespmem:s9], [sflag:$0x2] =	stream.indirect_vreg.gather [hbm4b:s4+s2], $0x80, v19, vm0, $0xb8;
	[tilespmem:$0xB000] =	vst v63  }
0x51d: {  	v58 =	vperm.xlane v17, v12;
	v19 =	vadd.s32 v3, v57  }
0x51e: {  	[tilespmem:s6], [sflag:$0x2] =	stream.indirect_vreg.gather [hbm4b:s4+s2], $0x80, v55, vm0, $0xb8;
	[tilespmem:$0xB000] =	vst v63  }
0x51f: {  	v60 =	vperm.xlane v17, v13;
	v59 =	vadd.s32 v3, v58  }
0x520: {  	[tilespmem:s7], [sflag:$0x2] =	stream.indirect_vreg.gather [hbm4b:s4+s2], $0x80, v18, vm0, $0xb8;
	[tilespmem:$0xB000] =	vst v63  }
0x521: {  	v61 =	vperm.xlane v17, v14;
	v18 =	vadd.s32 v3, v60  }
0x522: {  	[tilespmem:s3], [sflag:$0x2] =	stream.indirect_vreg.gather [hbm4b:s4+s2], $0x80, v19, vm0, $0xb8;
	[tilespmem:$0xB000] =	vst v63  }
0x523: {  	v19 =	vadd.s32 v3, v61  }
0x524: {  	v62 =	vperm.xlane v17, v15;
	[tilespmem:s1], [sflag:$0x2] =	stream.indirect_vreg.gather [hbm4b:s4+s2], $0x80, v59, vm0, $0xb8;
	[tilespmem:$0xB000] =	vst v63  }
0x525: {  	_ = 	snop  }
0x526: {  	v17 =	vperm.xlane v17, v16;
	v63 =	vadd.s32 v3, v62;
	[tilespmem:s12], [sflag:$0x2] =	stream.indirect_vreg.gather [hbm4b:s4+s2], $0x80, v18, vm0, $0xb8;
	[tilespmem:$0xB000] =	vst v63  }
0x527: {  	_ = 	snop  }
0x528: {  	v17 =	vadd.s32 v3, v17;
	[tilespmem:s13], [sflag:$0x2] =	stream.indirect_vreg.gather [hbm4b:s4+s2], $0x80, v19, vm0, $0xb8;
	[tilespmem:$0xB000] =	vst v63  }
.Ltmp6:
0x529: {  	_ = 	snop;
	(pc) =	sbr.rel .LBB2_2-.Ltmp6, $4  }
0x52a: {  	s22 =	sadd.s32 $0x1, s22;
	s21 =	sadd.s32 $0x100, s21  }
0x52b: {  	[tilespmem:s14], [sflag:$0x2] =	stream.indirect_vreg.gather [hbm4b:s4+s2], $0x80, v63, vm0, $0xb8;
	[tilespmem:$0xB000] =	vst v63  }
0x52c: {  	s25 =	sadd.s32 $0x2, s25;
	s19 =	sadd.s32 $0x100, s19;
	s18 =	sadd.s32 $0x2, s18  }
0x52d: {  	[tilespmem:s15], [sflag:$0x2] =	stream.indirect_vreg.gather [hbm4b:s4+s2], $0x80, v17, vm0, $0xb8;
	[tilespmem:$0xB000] =	vst v63  }
.LBB2_11:
0x52e: {  	_ =	sfence.sel $0x180000  }
0x52f: {  	[bflag:$0x0] =	sbarrier.arrive $0xFFFF  }
0x530: {  	_ =	strace $0x90000047  }
0x531: {  	s0 =	stileid.u32;
	[bflag:$0x2] =	sbarrier.arrive $0xFFFF  }
0x532: {  	p0 =	sne.s32 s0, $0x0;
	s0 =	rddreg [dreg:$0x4]  }
0x533: {  	s0 =	sadd.s32 @!p0 $0x100000, s0  }
0x534: {  	[sflag:s0] =	ssyncadd.tile.s32 @!p0 $0x1;
	_ =	shalt  }
.Lfunc_end2:
_tile_overlayer_lowered:
.L_overlay_start_2:
0x535: {  	(tag) =	ssettag $0x2  }
0x536: {  	s0 =	rddreg [dreg:$0x0];
	s2 =	stileid.u32  }
0x537: {  	s1 =	rddreg [dreg:$0x1];
	p0 =	sne.s32 s2, $0x0  }
0x538: {  	s3 =	rddreg [dreg:$0x2];
	[bflag:$0x3] =	sbarrier.arrive $0xFFFF;
	s2 =	simm.s32 @!p0 $0x1C03  }
0x539: {  	[timem:s3], [sflag:s2] =	dma.local @!p0 [hbm:s0], s1  }
0x53a: {  	s0 =	simm.s32 @!p0 $0x3  }
0x53b: {  	_ =	swait.ge @!p0 [sflag:s0], s1  }
0x53c: {  	s1 =	ssub.s32 @!p0 $0x0, s1;
	[sflag:s0] =	ssyncset.done @!p0 $0x0  }
0x53d: {  	[sflag:s0] =	ssyncadd.s32 @!p0 s1  }
0x53e: {  	[bflag:$0x3] =	sbarrier.arrive $0xFFFF  }
0x53f: {  	_ =	shalt  }

</sc_bundles>
